<compile_context>
chip_gen: v7x
topology: tpu7x:2x2x1
jax: 0.10.2.dev20260603
libtpu: 0.0.44.dev20260713+nightly
codegen_flags: <defaults>
</compile_context>

<pallas_src>
import functools

import jax
import jax.numpy as jnp
from jax import lax
from jax.experimental import pallas as pl
from jax.experimental.pallas import tpu as pltpu
from jax.experimental.pallas import tpu_sc as plsc

N = 10000
E = 320000
DIN = 128
D = 64
NC, NS = 2, 16
NW = NC * NS
CH = 128
NCH0 = 80
NCH1 = 80
NCHD = 80
TOTC = NS * (NCH0 + NCH1)
TOTC_PAD = TOTC + 64
NCHMAX = max(NCH0, NCH1)
PADE = TOTC_PAD * CH - E
N_ACC = 10112
RT = N_ACC // NS
DUMMY = N
DEGW = 16

_f32 = jnp.float32

_mesh = plsc.VectorSubcoreMesh(
    core_axis_name="c", subcore_axis_name="s", num_cores=NC, num_subcores=NS)



@functools.partial(
    pl.kernel,
    out_type=jax.ShapeDtypeStruct((NC, N_ACC, DEGW), _f32),
    mesh=_mesh,
    compiler_params=pltpu.CompilerParams(use_tc_tiling_on_sc=False),
    scratch_types=[
        pltpu.VMEM((NCHD, CH), jnp.int32),
        pltpu.VMEM((CH, DEGW), _f32),
        pltpu.VMEM_SHARED((N_ACC, DEGW), _f32),
    ],
)
def _sc_degree(dst_hbm, ones_hbm, zeros_hbm, deg_hbm, idx_v, ones_v, deg_sh):
    c = lax.axis_index("c")
    s = lax.axis_index("s")
    w = s * NC + c
    r0 = s * RT
    pltpu.sync_copy(zeros_hbm.at[pl.ds(r0, RT)], deg_sh.at[pl.ds(r0, RT)])
    pltpu.sync_copy(dst_hbm.at[pl.ds(w * NCHD, NCHD)], idx_v)
    pltpu.sync_copy(ones_hbm, ones_v)
    plsc.subcore_barrier()

    def body(j, carry):
        pltpu.sync_copy(ones_v, deg_sh.at[idx_v.at[j]], add=True)
        return carry

    lax.fori_loop(0, NCHD, body, 0)
    plsc.subcore_barrier()
    pltpu.sync_copy(deg_sh.at[pl.ds(r0, RT)], deg_hbm.at[c, pl.ds(r0, RT)])


@functools.partial(
    pl.kernel,
    out_type=jax.ShapeDtypeStruct((NC, N_ACC, D), _f32),
    mesh=_mesh,
    compiler_params=pltpu.CompilerParams(use_tc_tiling_on_sc=False),
    scratch_types=[
        pltpu.VMEM((NCHMAX, CH), jnp.int32),
        pltpu.VMEM((NCHMAX, CH), jnp.int32),
        pltpu.VMEM((2, CH, D), _f32),
        pltpu.VMEM_SHARED((N_ACC, D), _f32),
        pltpu.SemaphoreType.DMA,
        pltpu.SemaphoreType.DMA,
        pltpu.SemaphoreType.DMA,
        pltpu.SemaphoreType.DMA,
    ],
)
def _sc_scatter(g_hbm, src_hbm, dst_hbm, zeros_hbm, out_hbm,
                idx_s, idx_d, rowbuf, s_sh, gs0, gs1, ss0, ss1):
    c = lax.axis_index("c")
    s = lax.axis_index("s")
    r0 = s * RT
    base = (s * NC + c) * NCH0
    count = NCH0

    pltpu.sync_copy(zeros_hbm.at[pl.ds(r0, RT)], s_sh.at[pl.ds(r0, RT)])
    pltpu.sync_copy(src_hbm.at[pl.ds(base, NCHMAX)], idx_s)
    pltpu.sync_copy(dst_hbm.at[pl.ds(base, NCHMAX)], idx_d)
    plsc.subcore_barrier()

    def start_gather(j, b, sem):
        pltpu.async_copy(g_hbm.at[idx_s.at[j]], rowbuf.at[b], sem)

    def wait_gather(j, b, sem):
        pltpu.make_async_copy(g_hbm.at[idx_s.at[j]], rowbuf.at[b], sem).wait()

    def start_scatter(j, b, sem):
        pltpu.async_copy(rowbuf.at[b], s_sh.at[idx_d.at[j]], sem, add=True)

    def wait_scatter(j, b, sem):
        pltpu.make_async_copy(rowbuf.at[b], s_sh.at[idx_d.at[j]], sem).wait()

    start_gather(0, 0, gs0)
    start_gather(1, 1, gs1)
    wait_gather(0, 0, gs0)
    start_scatter(0, 0, ss0)

    def outer(t, carry):
        j1 = 2 * t + 1
        wait_scatter(j1 - 1, 0, ss0)
        start_gather(j1 + 1, 0, gs0)
        wait_gather(j1, 1, gs1)
        start_scatter(j1, 1, ss1)
        wait_scatter(j1, 1, ss1)
        start_gather(j1 + 2, 1, gs1)
        wait_gather(j1 + 1, 0, gs0)
        start_scatter(j1 + 1, 0, ss0)
        return carry

    lax.fori_loop(0, count // 2 - 1, outer, 0)
    wait_scatter(count - 2, 0, ss0)
    wait_gather(count - 1, 1, gs1)
    start_scatter(count - 1, 1, ss1)
    wait_scatter(count - 1, 1, ss1)
    plsc.subcore_barrier()
    pltpu.sync_copy(s_sh.at[pl.ds(r0, RT)], out_hbm.at[c, pl.ds(r0, RT)])



_BM = 1000


def _mm_body(x_ref, w_ref, o_ref):
    o_ref[...] = jnp.dot(x_ref[...], w_ref[...], preferred_element_type=_f32)


_tc_matmul = pl.pallas_call(
    _mm_body,
    grid=(N // _BM,),
    in_specs=[
        pl.BlockSpec((_BM, DIN), lambda i: (i, 0)),
        pl.BlockSpec((DIN, D), lambda i: (0, 0)),
    ],
    out_specs=pl.BlockSpec((_BM, D), lambda i: (i, 0)),
    out_shape=jax.ShapeDtypeStruct((N, D), _f32),
)


def _scale_body(h_ref, deg_ref, g_ref, dis_ref):
    deg = deg_ref[0, :, 0:1] + deg_ref[1, :, 0:1] + 1.0
    dis = lax.rsqrt(deg)
    dis_ref[...] = dis
    g_ref[...] = dis * h_ref[...]


_tc_scale = pl.pallas_call(
    _scale_body,
    grid=(N // _BM,),
    in_specs=[
        pl.BlockSpec((_BM, D), lambda i: (i, 0)),
        pl.BlockSpec((NC, _BM, DEGW), lambda i: (0, i, 0)),
    ],
    out_specs=[
        pl.BlockSpec((_BM, D), lambda i: (i, 0)),
        pl.BlockSpec((_BM, 1), lambda i: (i, 0)),
    ],
    out_shape=[
        jax.ShapeDtypeStruct((N, D), _f32),
        jax.ShapeDtypeStruct((N, 1), _f32),
    ],
)


def _mid_body(s_ref, g_ref, dis_ref, b_ref, w_ref, o_ref):
    dis = dis_ref[...]
    z = jnp.maximum(dis * (s_ref[0] + s_ref[1] + g_ref[...]) + b_ref[...], 0.0)
    h2 = jnp.dot(z, w_ref[...], preferred_element_type=_f32)
    o_ref[...] = dis * h2


_tc_mid = pl.pallas_call(
    _mid_body,
    grid=(N // _BM,),
    in_specs=[
        pl.BlockSpec((NC, _BM, D), lambda i: (0, i, 0)),
        pl.BlockSpec((_BM, D), lambda i: (i, 0)),
        pl.BlockSpec((_BM, 1), lambda i: (i, 0)),
        pl.BlockSpec((1, D), lambda i: (0, 0)),
        pl.BlockSpec((D, D), lambda i: (0, 0)),
    ],
    out_specs=pl.BlockSpec((_BM, D), lambda i: (i, 0)),
    out_shape=jax.ShapeDtypeStruct((N, D), _f32),
)


def _out_body(s_ref, g_ref, dis_ref, b_ref, w_ref, b3_ref, o_ref):
    dis = dis_ref[...]
    z = jnp.maximum(dis * (s_ref[0] + s_ref[1] + g_ref[...]) + b_ref[...], 0.0)
    o_ref[...] = jnp.dot(z, w_ref[...], preferred_element_type=_f32) + b3_ref[...]


_tc_out = pl.pallas_call(
    _out_body,
    grid=(N // _BM,),
    in_specs=[
        pl.BlockSpec((NC, _BM, D), lambda i: (0, i, 0)),
        pl.BlockSpec((_BM, D), lambda i: (i, 0)),
        pl.BlockSpec((_BM, 1), lambda i: (i, 0)),
        pl.BlockSpec((1, D), lambda i: (0, 0)),
        pl.BlockSpec((D, 1), lambda i: (0, 0)),
        pl.BlockSpec((1, 1), lambda i: (0, 0)),
    ],
    out_specs=pl.BlockSpec((_BM, 1), lambda i: (i, 0)),
    out_shape=jax.ShapeDtypeStruct((N, 1), _f32),
)



def kernel(x, edge_index, W1, b1, W2, b2, W3, b3):
    ei = edge_index.astype(jnp.int32)
    srcf = jnp.concatenate(
        [ei[0], jnp.zeros((PADE,), jnp.int32)]).reshape(TOTC_PAD, CH)
    dstf = jnp.concatenate(
        [ei[1], jnp.full((PADE,), DUMMY, jnp.int32)]).reshape(TOTC_PAD, CH)
    ones1 = jnp.ones((CH, DEGW), _f32)
    zeros1 = jnp.zeros((N_ACC, DEGW), _f32)
    zeros2 = jnp.zeros((N_ACC, D), _f32)
    b1r = b1.reshape(1, D)
    b2r = b2.reshape(1, D)
    b3r = b3.reshape(1, 1)

    degp = _sc_degree(dstf, ones1, zeros1)
    h1 = _tc_matmul(x, W1)
    g1, dis = _tc_scale(h1, degp)
    s1 = _sc_scatter(g1, srcf, dstf, zeros2)
    g2 = _tc_mid(s1, g1, dis, b1r, W2)
    s2 = _sc_scatter(g2, srcf, dstf, zeros2)
    return _tc_out(s2, g2, dis, b2r, W3, b3r)

# --- scband reference (transcript-rebuilt; emitter-appended) ---
"""Pipeline reference for scband-gnn-70918499991626 (READ-ONLY COPY).

The authoritative reference and input builder live on the scoring server;
editing this copy changes nothing except your own understanding.
"""

import jax, jax.numpy as jnp
import numpy as np

N_NODES = 10000
N_EDGES = 320000
D_IN = 128
D_HID = 64
D_OUT = 1


def setup_inputs(seed: int = 0) -> dict:
    key = jax.random.key(seed)
    ks = jax.random.split(key, 8)
    x = jax.random.normal(ks[0], (N_NODES, D_IN), dtype=jnp.float32)
    edge_index = jax.random.randint(ks[1], (2, N_EDGES), 0, N_NODES).astype(jnp.int64)
    W1 = jax.random.normal(ks[2], (D_IN, D_HID), dtype=jnp.float32) * (1.0 / np.sqrt(D_IN))
    b1 = jnp.zeros((D_HID,), dtype=jnp.float32)
    W2 = jax.random.normal(ks[3], (D_HID, D_HID), dtype=jnp.float32) * (1.0 / np.sqrt(D_HID))
    b2 = jnp.zeros((D_HID,), dtype=jnp.float32)
    W3 = jax.random.normal(ks[4], (D_HID, D_OUT), dtype=jnp.float32) * (1.0 / np.sqrt(D_HID))
    b3 = jnp.zeros((D_OUT,), dtype=jnp.float32)
    return {"x": x, "edge_index": edge_index, "W1": W1, "b1": b1, "W2": W2, "b2": b2, "W3": W3, "b3": b3}


def _gcn_conv(x, edge_index, W, b, num_nodes):
    # GCNConv: x' = D^{-1/2} (A + I) D^{-1/2} X W + b
    src = edge_index[0]
    dst = edge_index[1]
    loop = jnp.arange(num_nodes, dtype=src.dtype)
    src = jnp.concatenate([src, loop])
    dst = jnp.concatenate([dst, loop])
    deg = jnp.zeros((num_nodes,), dtype=x.dtype).at[dst].add(1.0)
    deg_inv_sqrt = jnp.where(deg > 0, jax.lax.rsqrt(deg), 0.0)
    norm = deg_inv_sqrt[src] * deg_inv_sqrt[dst]
    h = x @ W
    msgs = h[src] * norm[:, None]
    out = jnp.zeros((num_nodes, W.shape[1]), dtype=x.dtype).at[dst].add(msgs)
    return out + b


def reference(x, edge_index, W1, b1, W2, b2, W3, b3):
    h = _gcn_conv(x, edge_index, W1, b1, N_NODES)
    h = jax.nn.relu(h)
    h = _gcn_conv(h, edge_index, W2, b2, N_NODES)
    h = jax.nn.relu(h)
    return h @ W3 + b3

if __name__ == "__main__":
    import jax
    _d = setup_inputs()
    print(jax.jit(kernel)(*tuple(_d.values())))

</pallas_src>

<mosaic_0001>
#map = affine_map<(d0, d1) -> (0, 0)>
#map1 = affine_map<(d0, d1) -> (0, 0, 0)>
module attributes {stable_mosaic.version = 14 : i64} {
  func.func @_sc_degree(%arg0: i32, %arg1: i32, %arg2: memref<2624x128xi32, #tpu.memory_space<hbm>>, %arg3: memref<128x16xf32, #tpu.memory_space<hbm>>, %arg4: memref<10112x16xf32, #tpu.memory_space<hbm>>, %arg5: memref<2x10112x16xf32, #tpu.memory_space<hbm>>, %arg6: memref<80x128xi32, #tpu.memory_space<vmem>>, %arg7: memref<128x16xf32, #tpu.memory_space<vmem>>, %arg8: memref<10112x16xf32, #tpu.memory_space<vmem_shared>>) attributes {dimension_semantics = [#tpu.dimension_semantics<core_parallel>, #tpu.dimension_semantics<subcore_parallel>], iteration_bounds = array<i64: 2, 16>, scalar_prefetch = 0 : i64, scratch_operands = 3 : i64, tpu.core_type = #tpu.core_type<sc_vector_subcore>, window_params = [{transform_indices = #map}, {transform_indices = #map}, {transform_indices = #map}, {transform_indices = #map1}]} {
    %mul3A = arith.constant 2 : i32
    %mul3A_0 = arith.muli %arg1, %mul3A : i32
    %add3A = arith.addi %mul3A_0, %arg0 : i32
    %mul3A_1 = arith.constant 632 : i32
    %mul3A_2 = arith.muli %arg1, %mul3A_1 : i32
    "tpu.region"() ({
      %run_scoped3A = tpu.sem_alloc : memref<!tpu.dma_semaphore, #tpu.memory_space<semaphore_mem>>
      %dma_start3A = arith.constant 0 : i32
      %dma_start3A_11 = tpu.memref_slice %arg8[%mul3A_2, %dma_start3A] : memref<10112x16xf32, #tpu.memory_space<vmem_shared>> -> memref<632x16xf32, #tpu.memory_space<vmem_shared>>
      %dma_start3A_12 = arith.constant 0 : i32
      %dma_start3A_13 = tpu.memref_slice %arg4[%mul3A_2, %dma_start3A_12] : memref<10112x16xf32, #tpu.memory_space<hbm>> -> memref<632x16xf32, #tpu.memory_space<hbm>>
      tpu.enqueue_dma source(%dma_start3A_13 : memref<632x16xf32, #tpu.memory_space<hbm>>) target(%dma_start3A_11 : memref<632x16xf32, #tpu.memory_space<vmem_shared>>) target_semaphore(%run_scoped3A : memref<!tpu.dma_semaphore, #tpu.memory_space<semaphore_mem>>)
      %dma_wait3A = arith.constant 0 : i32
      %dma_wait3A_14 = tpu.memref_slice %arg8[%mul3A_2, %dma_wait3A] : memref<10112x16xf32, #tpu.memory_space<vmem_shared>> -> memref<632x16xf32, #tpu.memory_space<vmem_shared>>
      %dma_wait3A_15 = arith.constant 0 : i32
      %dma_wait3A_16 = tpu.memref_slice %arg4[%mul3A_2, %dma_wait3A_15] : memref<10112x16xf32, #tpu.memory_space<hbm>> -> memref<632x16xf32, #tpu.memory_space<hbm>>
      tpu.wait_dma2 semaphore(%run_scoped3A : memref<!tpu.dma_semaphore, #tpu.memory_space<semaphore_mem>>) src(%dma_wait3A_16 : memref<632x16xf32, #tpu.memory_space<hbm>>) dst(%dma_wait3A_14 : memref<632x16xf32, #tpu.memory_space<vmem_shared>>)
      tpu.yield
    }) : () -> ()
    %mul3A_3 = arith.constant 80 : i32
    %mul3A_4 = arith.muli %add3A, %mul3A_3 : i32
    "tpu.region"() ({
      %run_scoped3A = tpu.sem_alloc : memref<!tpu.dma_semaphore, #tpu.memory_space<semaphore_mem>>
      %dma_start3A = arith.constant 0 : i32
      %dma_start3A_11 = tpu.memref_slice %arg2[%mul3A_4, %dma_start3A] : memref<2624x128xi32, #tpu.memory_space<hbm>> -> memref<80x128xi32, #tpu.memory_space<hbm>>
      %dma_start3A_12 = arith.constant 0 : i32
      %dma_start3A_13 = tpu.memref_slice %arg2[%mul3A_4, %dma_start3A_12] : memref<2624x128xi32, #tpu.memory_space<hbm>> -> memref<80x128xi32, #tpu.memory_space<hbm>>
      tpu.enqueue_dma source(%dma_start3A_13 : memref<80x128xi32, #tpu.memory_space<hbm>>) target(%arg6 : memref<80x128xi32, #tpu.memory_space<vmem>>) target_semaphore(%run_scoped3A : memref<!tpu.dma_semaphore, #tpu.memory_space<semaphore_mem>>)
      %dma_wait3A = arith.constant 0 : i32
      %dma_wait3A_14 = tpu.memref_slice %arg2[%mul3A_4, %dma_wait3A] : memref<2624x128xi32, #tpu.memory_space<hbm>> -> memref<80x128xi32, #tpu.memory_space<hbm>>
      %dma_wait3A_15 = arith.constant 0 : i32
      %dma_wait3A_16 = tpu.memref_slice %arg2[%mul3A_4, %dma_wait3A_15] : memref<2624x128xi32, #tpu.memory_space<hbm>> -> memref<80x128xi32, #tpu.memory_space<hbm>>
      tpu.wait_dma2 semaphore(%run_scoped3A : memref<!tpu.dma_semaphore, #tpu.memory_space<semaphore_mem>>) src(%dma_wait3A_16 : memref<80x128xi32, #tpu.memory_space<hbm>>) dst(%arg6 : memref<80x128xi32, #tpu.memory_space<vmem>>)
      tpu.yield
    }) : () -> ()
    "tpu.region"() ({
      %run_scoped3A = tpu.sem_alloc : memref<!tpu.dma_semaphore, #tpu.memory_space<semaphore_mem>>
      tpu.enqueue_dma source(%arg3 : memref<128x16xf32, #tpu.memory_space<hbm>>) target(%arg7 : memref<128x16xf32, #tpu.memory_space<vmem>>) target_semaphore(%run_scoped3A : memref<!tpu.dma_semaphore, #tpu.memory_space<semaphore_mem>>)
      tpu.wait_dma2 semaphore(%run_scoped3A : memref<!tpu.dma_semaphore, #tpu.memory_space<semaphore_mem>>) src(%arg3 : memref<128x16xf32, #tpu.memory_space<hbm>>) dst(%arg7 : memref<128x16xf32, #tpu.memory_space<vmem>>)
      tpu.yield
    }) : () -> ()
    %barrier3A = arith.constant 0 : index
    tpu.barrier barrier_id(%barrier3A)
    %scan3A = arith.constant 0 : i32
    %scan3A_5 = arith.constant 0 : i32
    %scan3A_6 = arith.constant 80 : i32
    %scan3A_7 = arith.addi %scan3A_5, %scan3A_6 : i32
    %scan3A_8 = arith.constant 1 : i32
    scf.for %scan3A_11 = %scan3A_5 to %scan3A_7 step %scan3A_8  : i32 {
      "tpu.region"() ({
        %run_scoped3A = tpu.sem_alloc : memref<!tpu.dma_semaphore, #tpu.memory_space<semaphore_mem>>
        %dma_start3A = arith.constant 0 : i32
        %dma_start3A_12 = tpu.memref_slice %arg6[%scan3A_11, %dma_start3A] : memref<80x128xi32, #tpu.memory_space<vmem>> -> memref<1x128xi32, #tpu.memory_space<vmem>>
        %dma_start3A_13 = tpu.memref_squeeze %dma_start3A_12 : memref<1x128xi32, #tpu.memory_space<vmem>> -> memref<128xi32, #tpu.memory_space<vmem>>
        %dma_start3A_14 = arith.constant 0 : i32
        %dma_start3A_15 = arith.constant 0 : i32
        %dma_start3A_16 = tpu.memref_slice %arg8[%dma_start3A_14, %dma_start3A_15] : memref<10112x16xf32, #tpu.memory_space<vmem_shared>> -> memref<10112x16xf32, #tpu.memory_space<vmem_shared>>
        tpu.enqueue_indirect_dma source(%arg7 : memref<128x16xf32, #tpu.memory_space<vmem>>) target(%dma_start3A_16 : memref<10112x16xf32, #tpu.memory_space<vmem_shared>>) offsets(%dma_start3A_13 : memref<128xi32, #tpu.memory_space<vmem>>) semaphore(%run_scoped3A : memref<!tpu.dma_semaphore, #tpu.memory_space<semaphore_mem>>) {add = true}
        %dma_wait3A = arith.constant 0 : i32
        %dma_wait3A_17 = tpu.memref_slice %arg6[%scan3A_11, %dma_wait3A] : memref<80x128xi32, #tpu.memory_space<vmem>> -> memref<1x128xi32, #tpu.memory_space<vmem>>
        %dma_wait3A_18 = tpu.memref_squeeze %dma_wait3A_17 : memref<1x128xi32, #tpu.memory_space<vmem>> -> memref<128xi32, #tpu.memory_space<vmem>>
        %dma_wait3A_19 = arith.constant 0 : i32
        %dma_wait3A_20 = arith.constant 0 : i32
        %dma_wait3A_21 = tpu.memref_slice %arg8[%dma_wait3A_19, %dma_wait3A_20] : memref<10112x16xf32, #tpu.memory_space<vmem_shared>> -> memref<10112x16xf32, #tpu.memory_space<vmem_shared>>
        tpu.wait_indirect_dma semaphore(%run_scoped3A : memref<!tpu.dma_semaphore, #tpu.memory_space<semaphore_mem>>) src(%arg7 : memref<128x16xf32, #tpu.memory_space<vmem>>) dst(%dma_wait3A_21 : memref<10112x16xf32, #tpu.memory_space<vmem_shared>>)
        tpu.yield
      }) : () -> ()
    }
    %scan3A_9 = arith.constant 80 : i32
    %barrier3A_10 = arith.constant 0 : index
    tpu.barrier barrier_id(%barrier3A_10)
    "tpu.region"() ({
      %run_scoped3A = tpu.sem_alloc : memref<!tpu.dma_semaphore, #tpu.memory_space<semaphore_mem>>
      %dma_start3A = arith.constant 0 : i32
      %dma_start3A_11 = tpu.memref_slice %arg5[%arg0, %mul3A_2, %dma_start3A] : memref<2x10112x16xf32, #tpu.memory_space<hbm>> -> memref<1x632x16xf32, #tpu.memory_space<hbm>>
      %dma_start3A_12 = tpu.memref_squeeze %dma_start3A_11 : memref<1x632x16xf32, #tpu.memory_space<hbm>> -> memref<632x16xf32, #tpu.memory_space<hbm>>
      %dma_start3A_13 = arith.constant 0 : i32
      %dma_start3A_14 = tpu.memref_slice %arg8[%mul3A_2, %dma_start3A_13] : memref<10112x16xf32, #tpu.memory_space<vmem_shared>> -> memref<632x16xf32, #tpu.memory_space<vmem_shared>>
      tpu.enqueue_dma source(%dma_start3A_14 : memref<632x16xf32, #tpu.memory_space<vmem_shared>>) target(%dma_start3A_12 : memref<632x16xf32, #tpu.memory_space<hbm>>) target_semaphore(%run_scoped3A : memref<!tpu.dma_semaphore, #tpu.memory_space<semaphore_mem>>)
      %dma_wait3A = arith.constant 0 : i32
      %dma_wait3A_15 = tpu.memref_slice %arg5[%arg0, %mul3A_2, %dma_wait3A] : memref<2x10112x16xf32, #tpu.memory_space<hbm>> -> memref<1x632x16xf32, #tpu.memory_space<hbm>>
      %dma_wait3A_16 = tpu.memref_squeeze %dma_wait3A_15 : memref<1x632x16xf32, #tpu.memory_space<hbm>> -> memref<632x16xf32, #tpu.memory_space<hbm>>
      %dma_wait3A_17 = arith.constant 0 : i32
      %dma_wait3A_18 = tpu.memref_slice %arg8[%mul3A_2, %dma_wait3A_17] : memref<10112x16xf32, #tpu.memory_space<vmem_shared>> -> memref<632x16xf32, #tpu.memory_space<vmem_shared>>
      tpu.wait_dma2 semaphore(%run_scoped3A : memref<!tpu.dma_semaphore, #tpu.memory_space<semaphore_mem>>) src(%dma_wait3A_18 : memref<632x16xf32, #tpu.memory_space<vmem_shared>>) dst(%dma_wait3A_16 : memref<632x16xf32, #tpu.memory_space<hbm>>)
      tpu.yield
    }) : () -> ()
    return
  }
}

#map = affine_map<(d0, d1) -> (0, 0)>
#map1 = affine_map<(d0, d1) -> (0, 0, 0)>
module attributes {stable_mosaic.version = 14 : i64} {
  func.func @_sc_scatter(%arg0: i32, %arg1: i32, %arg2: memref<10000x64xf32, #tpu.memory_space<hbm>>, %arg3: memref<2624x128xi32, #tpu.memory_space<hbm>>, %arg4: memref<2624x128xi32, #tpu.memory_space<hbm>>, %arg5: memref<10112x64xf32, #tpu.memory_space<hbm>>, %arg6: memref<2x10112x64xf32, #tpu.memory_space<hbm>>, %arg7: memref<80x128xi32, #tpu.memory_space<vmem>>, %arg8: memref<80x128xi32, #tpu.memory_space<vmem>>, %arg9: memref<2x128x64xf32, #tpu.memory_space<vmem>>, %arg10: memref<10112x64xf32, #tpu.memory_space<vmem_shared>>, %arg11: memref<!tpu.dma_semaphore, #tpu.memory_space<semaphore_mem>>, %arg12: memref<!tpu.dma_semaphore, #tpu.memory_space<semaphore_mem>>, %arg13: memref<!tpu.dma_semaphore, #tpu.memory_space<semaphore_mem>>, %arg14: memref<!tpu.dma_semaphore, #tpu.memory_space<semaphore_mem>>) attributes {dimension_semantics = [#tpu.dimension_semantics<core_parallel>, #tpu.dimension_semantics<subcore_parallel>], iteration_bounds = array<i64: 2, 16>, scalar_prefetch = 0 : i64, scratch_operands = 8 : i64, tpu.core_type = #tpu.core_type<sc_vector_subcore>, window_params = [{transform_indices = #map}, {transform_indices = #map}, {transform_indices = #map}, {transform_indices = #map}, {transform_indices = #map1}]} {
    %mul3A = arith.constant 632 : i32
    %mul3A_0 = arith.muli %arg1, %mul3A : i32
    %mul3A_1 = arith.constant 2 : i32
    %mul3A_2 = arith.muli %arg1, %mul3A_1 : i32
    %add3A = arith.addi %mul3A_2, %arg0 : i32
    %mul3A_3 = arith.constant 80 : i32
    %mul3A_4 = arith.muli %add3A, %mul3A_3 : i32
    "tpu.region"() ({
      %run_scoped3A = tpu.sem_alloc : memref<!tpu.dma_semaphore, #tpu.memory_space<semaphore_mem>>
      %dma_start3A_105 = arith.constant 0 : i32
      %dma_start3A_106 = tpu.memref_slice %arg10[%mul3A_0, %dma_start3A_105] : memref<10112x64xf32, #tpu.memory_space<vmem_shared>> -> memref<632x64xf32, #tpu.memory_space<vmem_shared>>
      %dma_start3A_107 = arith.constant 0 : i32
      %dma_start3A_108 = tpu.memref_slice %arg5[%mul3A_0, %dma_start3A_107] : memref<10112x64xf32, #tpu.memory_space<hbm>> -> memref<632x64xf32, #tpu.memory_space<hbm>>
      tpu.enqueue_dma source(%dma_start3A_108 : memref<632x64xf32, #tpu.memory_space<hbm>>) target(%dma_start3A_106 : memref<632x64xf32, #tpu.memory_space<vmem_shared>>) target_semaphore(%run_scoped3A : memref<!tpu.dma_semaphore, #tpu.memory_space<semaphore_mem>>)
      %dma_wait3A_109 = arith.constant 0 : i32
      %dma_wait3A_110 = tpu.memref_slice %arg10[%mul3A_0, %dma_wait3A_109] : memref<10112x64xf32, #tpu.memory_space<vmem_shared>> -> memref<632x64xf32, #tpu.memory_space<vmem_shared>>
      %dma_wait3A_111 = arith.constant 0 : i32
      %dma_wait3A_112 = tpu.memref_slice %arg5[%mul3A_0, %dma_wait3A_111] : memref<10112x64xf32, #tpu.memory_space<hbm>> -> memref<632x64xf32, #tpu.memory_space<hbm>>
      tpu.wait_dma2 semaphore(%run_scoped3A : memref<!tpu.dma_semaphore, #tpu.memory_space<semaphore_mem>>) src(%dma_wait3A_112 : memref<632x64xf32, #tpu.memory_space<hbm>>) dst(%dma_wait3A_110 : memref<632x64xf32, #tpu.memory_space<vmem_shared>>)
      tpu.yield
    }) : () -> ()
    "tpu.region"() ({
      %run_scoped3A = tpu.sem_alloc : memref<!tpu.dma_semaphore, #tpu.memory_space<semaphore_mem>>
      %dma_start3A_105 = arith.constant 0 : i32
      %dma_start3A_106 = tpu.memref_slice %arg3[%mul3A_4, %dma_start3A_105] : memref<2624x128xi32, #tpu.memory_space<hbm>> -> memref<80x128xi32, #tpu.memory_space<hbm>>
      %dma_start3A_107 = arith.constant 0 : i32
      %dma_start3A_108 = tpu.memref_slice %arg3[%mul3A_4, %dma_start3A_107] : memref<2624x128xi32, #tpu.memory_space<hbm>> -> memref<80x128xi32, #tpu.memory_space<hbm>>
      tpu.enqueue_dma source(%dma_start3A_108 : memref<80x128xi32, #tpu.memory_space<hbm>>) target(%arg7 : memref<80x128xi32, #tpu.memory_space<vmem>>) target_semaphore(%run_scoped3A : memref<!tpu.dma_semaphore, #tpu.memory_space<semaphore_mem>>)
      %dma_wait3A_109 = arith.constant 0 : i32
      %dma_wait3A_110 = tpu.memref_slice %arg3[%mul3A_4, %dma_wait3A_109] : memref<2624x128xi32, #tpu.memory_space<hbm>> -> memref<80x128xi32, #tpu.memory_space<hbm>>
      %dma_wait3A_111 = arith.constant 0 : i32
      %dma_wait3A_112 = tpu.memref_slice %arg3[%mul3A_4, %dma_wait3A_111] : memref<2624x128xi32, #tpu.memory_space<hbm>> -> memref<80x128xi32, #tpu.memory_space<hbm>>
      tpu.wait_dma2 semaphore(%run_scoped3A : memref<!tpu.dma_semaphore, #tpu.memory_space<semaphore_mem>>) src(%dma_wait3A_112 : memref<80x128xi32, #tpu.memory_space<hbm>>) dst(%arg7 : memref<80x128xi32, #tpu.memory_space<vmem>>)
      tpu.yield
    }) : () -> ()
    "tpu.region"() ({
      %run_scoped3A = tpu.sem_alloc : memref<!tpu.dma_semaphore, #tpu.memory_space<semaphore_mem>>
      %dma_start3A_105 = arith.constant 0 : i32
      %dma_start3A_106 = tpu.memref_slice %arg4[%mul3A_4, %dma_start3A_105] : memref<2624x128xi32, #tpu.memory_space<hbm>> -> memref<80x128xi32, #tpu.memory_space<hbm>>
      %dma_start3A_107 = arith.constant 0 : i32
      %dma_start3A_108 = tpu.memref_slice %arg4[%mul3A_4, %dma_start3A_107] : memref<2624x128xi32, #tpu.memory_space<hbm>> -> memref<80x128xi32, #tpu.memory_space<hbm>>
      tpu.enqueue_dma source(%dma_start3A_108 : memref<80x128xi32, #tpu.memory_space<hbm>>) target(%arg8 : memref<80x128xi32, #tpu.memory_space<vmem>>) target_semaphore(%run_scoped3A : memref<!tpu.dma_semaphore, #tpu.memory_space<semaphore_mem>>)
      %dma_wait3A_109 = arith.constant 0 : i32
      %dma_wait3A_110 = tpu.memref_slice %arg4[%mul3A_4, %dma_wait3A_109] : memref<2624x128xi32, #tpu.memory_space<hbm>> -> memref<80x128xi32, #tpu.memory_space<hbm>>
      %dma_wait3A_111 = arith.constant 0 : i32
      %dma_wait3A_112 = tpu.memref_slice %arg4[%mul3A_4, %dma_wait3A_111] : memref<2624x128xi32, #tpu.memory_space<hbm>> -> memref<80x128xi32, #tpu.memory_space<hbm>>
      tpu.wait_dma2 semaphore(%run_scoped3A : memref<!tpu.dma_semaphore, #tpu.memory_space<semaphore_mem>>) src(%dma_wait3A_112 : memref<80x128xi32, #tpu.memory_space<hbm>>) dst(%arg8 : memref<80x128xi32, #tpu.memory_space<vmem>>)
      tpu.yield
    }) : () -> ()
    %barrier3A = arith.constant 0 : index
    tpu.barrier barrier_id(%barrier3A)
    %dma_start3A = arith.constant 0 : i32
    %dma_start3A_5 = arith.constant 0 : i32
    %dma_start3A_6 = arith.constant 0 : i32
    %dma_start3A_7 = arith.constant 0 : i32
    %dma_start3A_8 = tpu.memref_slice %arg9[%dma_start3A_5, %dma_start3A_6, %dma_start3A_7] : memref<2x128x64xf32, #tpu.memory_space<vmem>> -> memref<1x128x64xf32, #tpu.memory_space<vmem>>
    %dma_start3A_9 = tpu.memref_squeeze %dma_start3A_8 : memref<1x128x64xf32, #tpu.memory_space<vmem>> -> memref<128x64xf32, #tpu.memory_space<vmem>>
    %dma_start3A_10 = arith.constant 0 : i32
    %dma_start3A_11 = tpu.memref_slice %arg7[%dma_start3A, %dma_start3A_10] : memref<80x128xi32, #tpu.memory_space<vmem>> -> memref<1x128xi32, #tpu.memory_space<vmem>>
    %dma_start3A_12 = tpu.memref_squeeze %dma_start3A_11 : memref<1x128xi32, #tpu.memory_space<vmem>> -> memref<128xi32, #tpu.memory_space<vmem>>
    %dma_start3A_13 = arith.constant 0 : i32
    %dma_start3A_14 = arith.constant 0 : i32
    %dma_start3A_15 = tpu.memref_slice %arg2[%dma_start3A_13, %dma_start3A_14] : memref<10000x64xf32, #tpu.memory_space<hbm>> -> memref<10000x64xf32, #tpu.memory_space<hbm>>
    tpu.enqueue_indirect_dma source(%dma_start3A_15 : memref<10000x64xf32, #tpu.memory_space<hbm>>) target(%dma_start3A_9 : memref<128x64xf32, #tpu.memory_space<vmem>>) offsets(%dma_start3A_12 : memref<128xi32, #tpu.memory_space<vmem>>) semaphore(%arg11 : memref<!tpu.dma_semaphore, #tpu.memory_space<semaphore_mem>>)
    %dma_start3A_16 = arith.constant 1 : i32
    %dma_start3A_17 = arith.constant 1 : i32
    %dma_start3A_18 = arith.constant 0 : i32
    %dma_start3A_19 = arith.constant 0 : i32
    %dma_start3A_20 = tpu.memref_slice %arg9[%dma_start3A_17, %dma_start3A_18, %dma_start3A_19] : memref<2x128x64xf32, #tpu.memory_space<vmem>> -> memref<1x128x64xf32, #tpu.memory_space<vmem>>
    %dma_start3A_21 = tpu.memref_squeeze %dma_start3A_20 : memref<1x128x64xf32, #tpu.memory_space<vmem>> -> memref<128x64xf32, #tpu.memory_space<vmem>>
    %dma_start3A_22 = arith.constant 0 : i32
    %dma_start3A_23 = tpu.memref_slice %arg7[%dma_start3A_16, %dma_start3A_22] : memref<80x128xi32, #tpu.memory_space<vmem>> -> memref<1x128xi32, #tpu.memory_space<vmem>>
    %dma_start3A_24 = tpu.memref_squeeze %dma_start3A_23 : memref<1x128xi32, #tpu.memory_space<vmem>> -> memref<128xi32, #tpu.memory_space<vmem>>
    %dma_start3A_25 = arith.constant 0 : i32
    %dma_start3A_26 = arith.constant 0 : i32
    %dma_start3A_27 = tpu.memref_slice %arg2[%dma_start3A_25, %dma_start3A_26] : memref<10000x64xf32, #tpu.memory_space<hbm>> -> memref<10000x64xf32, #tpu.memory_space<hbm>>
    tpu.enqueue_indirect_dma source(%dma_start3A_27 : memref<10000x64xf32, #tpu.memory_space<hbm>>) target(%dma_start3A_21 : memref<128x64xf32, #tpu.memory_space<vmem>>) offsets(%dma_start3A_24 : memref<128xi32, #tpu.memory_space<vmem>>) semaphore(%arg12 : memref<!tpu.dma_semaphore, #tpu.memory_space<semaphore_mem>>)
    %dma_wait3A = arith.constant 0 : i32
    %dma_wait3A_28 = arith.constant 0 : i32
    %dma_wait3A_29 = arith.constant 0 : i32
    %dma_wait3A_30 = arith.constant 0 : i32
    %dma_wait3A_31 = tpu.memref_slice %arg9[%dma_wait3A_28, %dma_wait3A_29, %dma_wait3A_30] : memref<2x128x64xf32, #tpu.memory_space<vmem>> -> memref<1x128x64xf32, #tpu.memory_space<vmem>>
    %dma_wait3A_32 = tpu.memref_squeeze %dma_wait3A_31 : memref<1x128x64xf32, #tpu.memory_space<vmem>> -> memref<128x64xf32, #tpu.memory_space<vmem>>
    %dma_wait3A_33 = arith.constant 0 : i32
    %dma_wait3A_34 = tpu.memref_slice %arg7[%dma_wait3A, %dma_wait3A_33] : memref<80x128xi32, #tpu.memory_space<vmem>> -> memref<1x128xi32, #tpu.memory_space<vmem>>
    %dma_wait3A_35 = tpu.memref_squeeze %dma_wait3A_34 : memref<1x128xi32, #tpu.memory_space<vmem>> -> memref<128xi32, #tpu.memory_space<vmem>>
    %dma_wait3A_36 = arith.constant 0 : i32
    %dma_wait3A_37 = arith.constant 0 : i32
    %dma_wait3A_38 = tpu.memref_slice %arg2[%dma_wait3A_36, %dma_wait3A_37] : memref<10000x64xf32, #tpu.memory_space<hbm>> -> memref<10000x64xf32, #tpu.memory_space<hbm>>
    tpu.wait_indirect_dma semaphore(%arg11 : memref<!tpu.dma_semaphore, #tpu.memory_space<semaphore_mem>>) src(%dma_wait3A_38 : memref<10000x64xf32, #tpu.memory_space<hbm>>) dst(%dma_wait3A_32 : memref<128x64xf32, #tpu.memory_space<vmem>>)
    %dma_start3A_39 = arith.constant 0 : i32
    %dma_start3A_40 = arith.constant 0 : i32
    %dma_start3A_41 = arith.constant 0 : i32
    %dma_start3A_42 = arith.constant 0 : i32
    %dma_start3A_43 = tpu.memref_slice %arg9[%dma_start3A_39, %dma_start3A_41, %dma_start3A_42] : memref<2x128x64xf32, #tpu.memory_space<vmem>> -> memref<1x128x64xf32, #tpu.memory_space<vmem>>
    %dma_start3A_44 = tpu.memref_squeeze %dma_start3A_43 : memref<1x128x64xf32, #tpu.memory_space<vmem>> -> memref<128x64xf32, #tpu.memory_space<vmem>>
    %dma_start3A_45 = arith.constant 0 : i32
    %dma_start3A_46 = tpu.memref_slice %arg8[%dma_start3A_40, %dma_start3A_45] : memref<80x128xi32, #tpu.memory_space<vmem>> -> memref<1x128xi32, #tpu.memory_space<vmem>>
    %dma_start3A_47 = tpu.memref_squeeze %dma_start3A_46 : memref<1x128xi32, #tpu.memory_space<vmem>> -> memref<128xi32, #tpu.memory_space<vmem>>
    %dma_start3A_48 = arith.constant 0 : i32
    %dma_start3A_49 = arith.constant 0 : i32
    %dma_start3A_50 = tpu.memref_slice %arg10[%dma_start3A_48, %dma_start3A_49] : memref<10112x64xf32, #tpu.memory_space<vmem_shared>> -> memref<10112x64xf32, #tpu.memory_space<vmem_shared>>
    tpu.enqueue_indirect_dma source(%dma_start3A_44 : memref<128x64xf32, #tpu.memory_space<vmem>>) target(%dma_start3A_50 : memref<10112x64xf32, #tpu.memory_space<vmem_shared>>) offsets(%dma_start3A_47 : memref<128xi32, #tpu.memory_space<vmem>>) semaphore(%arg13 : memref<!tpu.dma_semaphore, #tpu.memory_space<semaphore_mem>>) {add = true}
    %scan3A = arith.constant 0 : i32
    %scan3A_51 = arith.constant 0 : i32
    %scan3A_52 = arith.constant 39 : i32
    %scan3A_53 = arith.addi %scan3A_51, %scan3A_52 : i32
    %scan3A_54 = arith.constant 1 : i32
    scf.for %scan3A_105 = %scan3A_51 to %scan3A_53 step %scan3A_54  : i32 {
      %mul3A_106 = arith.constant 2 : i32
      %mul3A_107 = arith.muli %mul3A_106, %scan3A_105 : i32
      %add3A_108 = arith.constant 1 : i32
      %add3A_109 = arith.addi %mul3A_107, %add3A_108 : i32
      %sub3A = arith.constant 1 : i32
      %sub3A_110 = arith.subi %add3A_109, %sub3A : i32
      %dma_wait3A_111 = arith.constant 0 : i32
      %dma_wait3A_112 = arith.constant 0 : i32
      %dma_wait3A_113 = arith.constant 0 : i32
      %dma_wait3A_114 = tpu.memref_slice %arg9[%dma_wait3A_111, %dma_wait3A_112, %dma_wait3A_113] : memref<2x128x64xf32, #tpu.memory_space<vmem>> -> memref<1x128x64xf32, #tpu.memory_space<vmem>>
      %dma_wait3A_115 = tpu.memref_squeeze %dma_wait3A_114 : memref<1x128x64xf32, #tpu.memory_space<vmem>> -> memref<128x64xf32, #tpu.memory_space<vmem>>
      %dma_wait3A_116 = arith.constant 0 : i32
      %dma_wait3A_117 = tpu.memref_slice %arg8[%sub3A_110, %dma_wait3A_116] : memref<80x128xi32, #tpu.memory_space<vmem>> -> memref<1x128xi32, #tpu.memory_space<vmem>>
      %dma_wait3A_118 = tpu.memref_squeeze %dma_wait3A_117 : memref<1x128xi32, #tpu.memory_space<vmem>> -> memref<128xi32, #tpu.memory_space<vmem>>
      %dma_wait3A_119 = arith.constant 0 : i32
      %dma_wait3A_120 = arith.constant 0 : i32
      %dma_wait3A_121 = tpu.memref_slice %arg10[%dma_wait3A_119, %dma_wait3A_120] : memref<10112x64xf32, #tpu.memory_space<vmem_shared>> -> memref<10112x64xf32, #tpu.memory_space<vmem_shared>>
      tpu.wait_indirect_dma semaphore(%arg13 : memref<!tpu.dma_semaphore, #tpu.memory_space<semaphore_mem>>) src(%dma_wait3A_115 : memref<128x64xf32, #tpu.memory_space<vmem>>) dst(%dma_wait3A_121 : memref<10112x64xf32, #tpu.memory_space<vmem_shared>>)
      %add3A_122 = arith.constant 1 : i32
      %add3A_123 = arith.addi %add3A_109, %add3A_122 : i32
      %dma_start3A_124 = arith.constant 0 : i32
      %dma_start3A_125 = arith.constant 0 : i32
      %dma_start3A_126 = arith.constant 0 : i32
      %dma_start3A_127 = tpu.memref_slice %arg9[%dma_start3A_124, %dma_start3A_125, %dma_start3A_126] : memref<2x128x64xf32, #tpu.memory_space<vmem>> -> memref<1x128x64xf32, #tpu.memory_space<vmem>>
      %dma_start3A_128 = tpu.memref_squeeze %dma_start3A_127 : memref<1x128x64xf32, #tpu.memory_space<vmem>> -> memref<128x64xf32, #tpu.memory_space<vmem>>
      %dma_start3A_129 = arith.constant 0 : i32
      %dma_start3A_130 = tpu.memref_slice %arg7[%add3A_123, %dma_start3A_129] : memref<80x128xi32, #tpu.memory_space<vmem>> -> memref<1x128xi32, #tpu.memory_space<vmem>>
      %dma_start3A_131 = tpu.memref_squeeze %dma_start3A_130 : memref<1x128xi32, #tpu.memory_space<vmem>> -> memref<128xi32, #tpu.memory_space<vmem>>
      %dma_start3A_132 = arith.constant 0 : i32
      %dma_start3A_133 = arith.constant 0 : i32
      %dma_start3A_134 = tpu.memref_slice %arg2[%dma_start3A_132, %dma_start3A_133] : memref<10000x64xf32, #tpu.memory_space<hbm>> -> memref<10000x64xf32, #tpu.memory_space<hbm>>
      tpu.enqueue_indirect_dma source(%dma_start3A_134 : memref<10000x64xf32, #tpu.memory_space<hbm>>) target(%dma_start3A_128 : memref<128x64xf32, #tpu.memory_space<vmem>>) offsets(%dma_start3A_131 : memref<128xi32, #tpu.memory_space<vmem>>) semaphore(%arg11 : memref<!tpu.dma_semaphore, #tpu.memory_space<semaphore_mem>>)
      %dma_wait3A_135 = arith.constant 1 : i32
      %dma_wait3A_136 = arith.constant 0 : i32
      %dma_wait3A_137 = arith.constant 0 : i32
      %dma_wait3A_138 = tpu.memref_slice %arg9[%dma_wait3A_135, %dma_wait3A_136, %dma_wait3A_137] : memref<2x128x64xf32, #tpu.memory_space<vmem>> -> memref<1x128x64xf32, #tpu.memory_space<vmem>>
      %dma_wait3A_139 = tpu.memref_squeeze %dma_wait3A_138 : memref<1x128x64xf32, #tpu.memory_space<vmem>> -> memref<128x64xf32, #tpu.memory_space<vmem>>
      %dma_wait3A_140 = arith.constant 0 : i32
      %dma_wait3A_141 = tpu.memref_slice %arg7[%add3A_109, %dma_wait3A_140] : memref<80x128xi32, #tpu.memory_space<vmem>> -> memref<1x128xi32, #tpu.memory_space<vmem>>
      %dma_wait3A_142 = tpu.memref_squeeze %dma_wait3A_141 : memref<1x128xi32, #tpu.memory_space<vmem>> -> memref<128xi32, #tpu.memory_space<vmem>>
      %dma_wait3A_143 = arith.constant 0 : i32
      %dma_wait3A_144 = arith.constant 0 : i32
      %dma_wait3A_145 = tpu.memref_slice %arg2[%dma_wait3A_143, %dma_wait3A_144] : memref<10000x64xf32, #tpu.memory_space<hbm>> -> memref<10000x64xf32, #tpu.memory_space<hbm>>
      tpu.wait_indirect_dma semaphore(%arg12 : memref<!tpu.dma_semaphore, #tpu.memory_space<semaphore_mem>>) src(%dma_wait3A_145 : memref<10000x64xf32, #tpu.memory_space<hbm>>) dst(%dma_wait3A_139 : memref<128x64xf32, #tpu.memory_space<vmem>>)
      %dma_start3A_146 = arith.constant 1 : i32
      %dma_start3A_147 = arith.constant 0 : i32
      %dma_start3A_148 = arith.constant 0 : i32
      %dma_start3A_149 = tpu.memref_slice %arg9[%dma_start3A_146, %dma_start3A_147, %dma_start3A_148] : memref<2x128x64xf32, #tpu.memory_space<vmem>> -> memref<1x128x64xf32, #tpu.memory_space<vmem>>
      %dma_start3A_150 = tpu.memref_squeeze %dma_start3A_149 : memref<1x128x64xf32, #tpu.memory_space<vmem>> -> memref<128x64xf32, #tpu.memory_space<vmem>>
      %dma_start3A_151 = arith.constant 0 : i32
      %dma_start3A_152 = tpu.memref_slice %arg8[%add3A_109, %dma_start3A_151] : memref<80x128xi32, #tpu.memory_space<vmem>> -> memref<1x128xi32, #tpu.memory_space<vmem>>
      %dma_start3A_153 = tpu.memref_squeeze %dma_start3A_152 : memref<1x128xi32, #tpu.memory_space<vmem>> -> memref<128xi32, #tpu.memory_space<vmem>>
      %dma_start3A_154 = arith.constant 0 : i32
      %dma_start3A_155 = arith.constant 0 : i32
      %dma_start3A_156 = tpu.memref_slice %arg10[%dma_start3A_154, %dma_start3A_155] : memref<10112x64xf32, #tpu.memory_space<vmem_shared>> -> memref<10112x64xf32, #tpu.memory_space<vmem_shared>>
      tpu.enqueue_indirect_dma source(%dma_start3A_150 : memref<128x64xf32, #tpu.memory_space<vmem>>) target(%dma_start3A_156 : memref<10112x64xf32, #tpu.memory_space<vmem_shared>>) offsets(%dma_start3A_153 : memref<128xi32, #tpu.memory_space<vmem>>) semaphore(%arg14 : memref<!tpu.dma_semaphore, #tpu.memory_space<semaphore_mem>>) {add = true}
      %dma_wait3A_157 = arith.constant 1 : i32
      %dma_wait3A_158 = arith.constant 0 : i32
      %dma_wait3A_159 = arith.constant 0 : i32
      %dma_wait3A_160 = tpu.memref_slice %arg9[%dma_wait3A_157, %dma_wait3A_158, %dma_wait3A_159] : memref<2x128x64xf32, #tpu.memory_space<vmem>> -> memref<1x128x64xf32, #tpu.memory_space<vmem>>
      %dma_wait3A_161 = tpu.memref_squeeze %dma_wait3A_160 : memref<1x128x64xf32, #tpu.memory_space<vmem>> -> memref<128x64xf32, #tpu.memory_space<vmem>>
      %dma_wait3A_162 = arith.constant 0 : i32
      %dma_wait3A_163 = tpu.memref_slice %arg8[%add3A_109, %dma_wait3A_162] : memref<80x128xi32, #tpu.memory_space<vmem>> -> memref<1x128xi32, #tpu.memory_space<vmem>>
      %dma_wait3A_164 = tpu.memref_squeeze %dma_wait3A_163 : memref<1x128xi32, #tpu.memory_space<vmem>> -> memref<128xi32, #tpu.memory_space<vmem>>
      %dma_wait3A_165 = arith.constant 0 : i32
      %dma_wait3A_166 = arith.constant 0 : i32
      %dma_wait3A_167 = tpu.memref_slice %arg10[%dma_wait3A_165, %dma_wait3A_166] : memref<10112x64xf32, #tpu.memory_space<vmem_shared>> -> memref<10112x64xf32, #tpu.memory_space<vmem_shared>>
      tpu.wait_indirect_dma semaphore(%arg14 : memref<!tpu.dma_semaphore, #tpu.memory_space<semaphore_mem>>) src(%dma_wait3A_161 : memref<128x64xf32, #tpu.memory_space<vmem>>) dst(%dma_wait3A_167 : memref<10112x64xf32, #tpu.memory_space<vmem_shared>>)
      %add3A_168 = arith.constant 2 : i32
      %add3A_169 = arith.addi %add3A_109, %add3A_168 : i32
      %dma_start3A_170 = arith.constant 1 : i32
      %dma_start3A_171 = arith.constant 0 : i32
      %dma_start3A_172 = arith.constant 0 : i32
      %dma_start3A_173 = tpu.memref_slice %arg9[%dma_start3A_170, %dma_start3A_171, %dma_start3A_172] : memref<2x128x64xf32, #tpu.memory_space<vmem>> -> memref<1x128x64xf32, #tpu.memory_space<vmem>>
      %dma_start3A_174 = tpu.memref_squeeze %dma_start3A_173 : memref<1x128x64xf32, #tpu.memory_space<vmem>> -> memref<128x64xf32, #tpu.memory_space<vmem>>
      %dma_start3A_175 = arith.constant 0 : i32
      %dma_start3A_176 = tpu.memref_slice %arg7[%add3A_169, %dma_start3A_175] : memref<80x128xi32, #tpu.memory_space<vmem>> -> memref<1x128xi32, #tpu.memory_space<vmem>>
      %dma_start3A_177 = tpu.memref_squeeze %dma_start3A_176 : memref<1x128xi32, #tpu.memory_space<vmem>> -> memref<128xi32, #tpu.memory_space<vmem>>
      %dma_start3A_178 = arith.constant 0 : i32
      %dma_start3A_179 = arith.constant 0 : i32
      %dma_start3A_180 = tpu.memref_slice %arg2[%dma_start3A_178, %dma_start3A_179] : memref<10000x64xf32, #tpu.memory_space<hbm>> -> memref<10000x64xf32, #tpu.memory_space<hbm>>
      tpu.enqueue_indirect_dma source(%dma_start3A_180 : memref<10000x64xf32, #tpu.memory_space<hbm>>) target(%dma_start3A_174 : memref<128x64xf32, #tpu.memory_space<vmem>>) offsets(%dma_start3A_177 : memref<128xi32, #tpu.memory_space<vmem>>) semaphore(%arg12 : memref<!tpu.dma_semaphore, #tpu.memory_space<semaphore_mem>>)
      %add3A_181 = arith.constant 1 : i32
      %add3A_182 = arith.addi %add3A_109, %add3A_181 : i32
      %dma_wait3A_183 = arith.constant 0 : i32
      %dma_wait3A_184 = arith.constant 0 : i32
      %dma_wait3A_185 = arith.constant 0 : i32
      %dma_wait3A_186 = tpu.memref_slice %arg9[%dma_wait3A_183, %dma_wait3A_184, %dma_wait3A_185] : memref<2x128x64xf32, #tpu.memory_space<vmem>> -> memref<1x128x64xf32, #tpu.memory_space<vmem>>
      %dma_wait3A_187 = tpu.memref_squeeze %dma_wait3A_186 : memref<1x128x64xf32, #tpu.memory_space<vmem>> -> memref<128x64xf32, #tpu.memory_space<vmem>>
      %dma_wait3A_188 = arith.constant 0 : i32
      %dma_wait3A_189 = tpu.memref_slice %arg7[%add3A_182, %dma_wait3A_188] : memref<80x128xi32, #tpu.memory_space<vmem>> -> memref<1x128xi32, #tpu.memory_space<vmem>>
      %dma_wait3A_190 = tpu.memref_squeeze %dma_wait3A_189 : memref<1x128xi32, #tpu.memory_space<vmem>> -> memref<128xi32, #tpu.memory_space<vmem>>
      %dma_wait3A_191 = arith.constant 0 : i32
      %dma_wait3A_192 = arith.constant 0 : i32
      %dma_wait3A_193 = tpu.memref_slice %arg2[%dma_wait3A_191, %dma_wait3A_192] : memref<10000x64xf32, #tpu.memory_space<hbm>> -> memref<10000x64xf32, #tpu.memory_space<hbm>>
      tpu.wait_indirect_dma semaphore(%arg11 : memref<!tpu.dma_semaphore, #tpu.memory_space<semaphore_mem>>) src(%dma_wait3A_193 : memref<10000x64xf32, #tpu.memory_space<hbm>>) dst(%dma_wait3A_187 : memref<128x64xf32, #tpu.memory_space<vmem>>)
      %add3A_194 = arith.constant 1 : i32
      %add3A_195 = arith.addi %add3A_109, %add3A_194 : i32
      %dma_start3A_196 = arith.constant 0 : i32
      %dma_start3A_197 = arith.constant 0 : i32
      %dma_start3A_198 = arith.constant 0 : i32
      %dma_start3A_199 = tpu.memref_slice %arg9[%dma_start3A_196, %dma_start3A_197, %dma_start3A_198] : memref<2x128x64xf32, #tpu.memory_space<vmem>> -> memref<1x128x64xf32, #tpu.memory_space<vmem>>
      %dma_start3A_200 = tpu.memref_squeeze %dma_start3A_199 : memref<1x128x64xf32, #tpu.memory_space<vmem>> -> memref<128x64xf32, #tpu.memory_space<vmem>>
      %dma_start3A_201 = arith.constant 0 : i32
      %dma_start3A_202 = tpu.memref_slice %arg8[%add3A_195, %dma_start3A_201] : memref<80x128xi32, #tpu.memory_space<vmem>> -> memref<1x128xi32, #tpu.memory_space<vmem>>
      %dma_start3A_203 = tpu.memref_squeeze %dma_start3A_202 : memref<1x128xi32, #tpu.memory_space<vmem>> -> memref<128xi32, #tpu.memory_space<vmem>>
      %dma_start3A_204 = arith.constant 0 : i32
      %dma_start3A_205 = arith.constant 0 : i32
      %dma_start3A_206 = tpu.memref_slice %arg10[%dma_start3A_204, %dma_start3A_205] : memref<10112x64xf32, #tpu.memory_space<vmem_shared>> -> memref<10112x64xf32, #tpu.memory_space<vmem_shared>>
      tpu.enqueue_indirect_dma source(%dma_start3A_200 : memref<128x64xf32, #tpu.memory_space<vmem>>) target(%dma_start3A_206 : memref<10112x64xf32, #tpu.memory_space<vmem_shared>>) offsets(%dma_start3A_203 : memref<128xi32, #tpu.memory_space<vmem>>) semaphore(%arg13 : memref<!tpu.dma_semaphore, #tpu.memory_space<semaphore_mem>>) {add = true}
    }
    %scan3A_55 = arith.constant 39 : i32
    %dma_wait3A_56 = arith.constant 0 : i32
    %dma_wait3A_57 = arith.constant 78 : i32
    %dma_wait3A_58 = arith.constant 0 : i32
    %dma_wait3A_59 = arith.constant 0 : i32
    %dma_wait3A_60 = tpu.memref_slice %arg9[%dma_wait3A_56, %dma_wait3A_58, %dma_wait3A_59] : memref<2x128x64xf32, #tpu.memory_space<vmem>> -> memref<1x128x64xf32, #tpu.memory_space<vmem>>
    %dma_wait3A_61 = tpu.memref_squeeze %dma_wait3A_60 : memref<1x128x64xf32, #tpu.memory_space<vmem>> -> memref<128x64xf32, #tpu.memory_space<vmem>>
    %dma_wait3A_62 = arith.constant 0 : i32
    %dma_wait3A_63 = tpu.memref_slice %arg8[%dma_wait3A_57, %dma_wait3A_62] : memref<80x128xi32, #tpu.memory_space<vmem>> -> memref<1x128xi32, #tpu.memory_space<vmem>>
    %dma_wait3A_64 = tpu.memref_squeeze %dma_wait3A_63 : memref<1x128xi32, #tpu.memory_space<vmem>> -> memref<128xi32, #tpu.memory_space<vmem>>
    %dma_wait3A_65 = arith.constant 0 : i32
    %dma_wait3A_66 = arith.constant 0 : i32
    %dma_wait3A_67 = tpu.memref_slice %arg10[%dma_wait3A_65, %dma_wait3A_66] : memref<10112x64xf32, #tpu.memory_space<vmem_shared>> -> memref<10112x64xf32, #tpu.memory_space<vmem_shared>>
    tpu.wait_indirect_dma semaphore(%arg13 : memref<!tpu.dma_semaphore, #tpu.memory_space<semaphore_mem>>) src(%dma_wait3A_61 : memref<128x64xf32, #tpu.memory_space<vmem>>) dst(%dma_wait3A_67 : memref<10112x64xf32, #tpu.memory_space<vmem_shared>>)
    %dma_wait3A_68 = arith.constant 79 : i32
    %dma_wait3A_69 = arith.constant 1 : i32
    %dma_wait3A_70 = arith.constant 0 : i32
    %dma_wait3A_71 = arith.constant 0 : i32
    %dma_wait3A_72 = tpu.memref_slice %arg9[%dma_wait3A_69, %dma_wait3A_70, %dma_wait3A_71] : memref<2x128x64xf32, #tpu.memory_space<vmem>> -> memref<1x128x64xf32, #tpu.memory_space<vmem>>
    %dma_wait3A_73 = tpu.memref_squeeze %dma_wait3A_72 : memref<1x128x64xf32, #tpu.memory_space<vmem>> -> memref<128x64xf32, #tpu.memory_space<vmem>>
    %dma_wait3A_74 = arith.constant 0 : i32
    %dma_wait3A_75 = tpu.memref_slice %arg7[%dma_wait3A_68, %dma_wait3A_74] : memref<80x128xi32, #tpu.memory_space<vmem>> -> memref<1x128xi32, #tpu.memory_space<vmem>>
    %dma_wait3A_76 = tpu.memref_squeeze %dma_wait3A_75 : memref<1x128xi32, #tpu.memory_space<vmem>> -> memref<128xi32, #tpu.memory_space<vmem>>
    %dma_wait3A_77 = arith.constant 0 : i32
    %dma_wait3A_78 = arith.constant 0 : i32
    %dma_wait3A_79 = tpu.memref_slice %arg2[%dma_wait3A_77, %dma_wait3A_78] : memref<10000x64xf32, #tpu.memory_space<hbm>> -> memref<10000x64xf32, #tpu.memory_space<hbm>>
    tpu.wait_indirect_dma semaphore(%arg12 : memref<!tpu.dma_semaphore, #tpu.memory_space<semaphore_mem>>) src(%dma_wait3A_79 : memref<10000x64xf32, #tpu.memory_space<hbm>>) dst(%dma_wait3A_73 : memref<128x64xf32, #tpu.memory_space<vmem>>)
    %dma_start3A_80 = arith.constant 1 : i32
    %dma_start3A_81 = arith.constant 79 : i32
    %dma_start3A_82 = arith.constant 0 : i32
    %dma_start3A_83 = arith.constant 0 : i32
    %dma_start3A_84 = tpu.memref_slice %arg9[%dma_start3A_80, %dma_start3A_82, %dma_start3A_83] : memref<2x128x64xf32, #tpu.memory_space<vmem>> -> memref<1x128x64xf32, #tpu.memory_space<vmem>>
    %dma_start3A_85 = tpu.memref_squeeze %dma_start3A_84 : memref<1x128x64xf32, #tpu.memory_space<vmem>> -> memref<128x64xf32, #tpu.memory_space<vmem>>
    %dma_start3A_86 = arith.constant 0 : i32
    %dma_start3A_87 = tpu.memref_slice %arg8[%dma_start3A_81, %dma_start3A_86] : memref<80x128xi32, #tpu.memory_space<vmem>> -> memref<1x128xi32, #tpu.memory_space<vmem>>
    %dma_start3A_88 = tpu.memref_squeeze %dma_start3A_87 : memref<1x128xi32, #tpu.memory_space<vmem>> -> memref<128xi32, #tpu.memory_space<vmem>>
    %dma_start3A_89 = arith.constant 0 : i32
    %dma_start3A_90 = arith.constant 0 : i32
    %dma_start3A_91 = tpu.memref_slice %arg10[%dma_start3A_89, %dma_start3A_90] : memref<10112x64xf32, #tpu.memory_space<vmem_shared>> -> memref<10112x64xf32, #tpu.memory_space<vmem_shared>>
    tpu.enqueue_indirect_dma source(%dma_start3A_85 : memref<128x64xf32, #tpu.memory_space<vmem>>) target(%dma_start3A_91 : memref<10112x64xf32, #tpu.memory_space<vmem_shared>>) offsets(%dma_start3A_88 : memref<128xi32, #tpu.memory_space<vmem>>) semaphore(%arg14 : memref<!tpu.dma_semaphore, #tpu.memory_space<semaphore_mem>>) {add = true}
    %dma_wait3A_92 = arith.constant 1 : i32
    %dma_wait3A_93 = arith.constant 79 : i32
    %dma_wait3A_94 = arith.constant 0 : i32
    %dma_wait3A_95 = arith.constant 0 : i32
    %dma_wait3A_96 = tpu.memref_slice %arg9[%dma_wait3A_92, %dma_wait3A_94, %dma_wait3A_95] : memref<2x128x64xf32, #tpu.memory_space<vmem>> -> memref<1x128x64xf32, #tpu.memory_space<vmem>>
    %dma_wait3A_97 = tpu.memref_squeeze %dma_wait3A_96 : memref<1x128x64xf32, #tpu.memory_space<vmem>> -> memref<128x64xf32, #tpu.memory_space<vmem>>
    %dma_wait3A_98 = arith.constant 0 : i32
    %dma_wait3A_99 = tpu.memref_slice %arg8[%dma_wait3A_93, %dma_wait3A_98] : memref<80x128xi32, #tpu.memory_space<vmem>> -> memref<1x128xi32, #tpu.memory_space<vmem>>
    %dma_wait3A_100 = tpu.memref_squeeze %dma_wait3A_99 : memref<1x128xi32, #tpu.memory_space<vmem>> -> memref<128xi32, #tpu.memory_space<vmem>>
    %dma_wait3A_101 = arith.constant 0 : i32
    %dma_wait3A_102 = arith.constant 0 : i32
    %dma_wait3A_103 = tpu.memref_slice %arg10[%dma_wait3A_101, %dma_wait3A_102] : memref<10112x64xf32, #tpu.memory_space<vmem_shared>> -> memref<10112x64xf32, #tpu.memory_space<vmem_shared>>
    tpu.wait_indirect_dma semaphore(%arg14 : memref<!tpu.dma_semaphore, #tpu.memory_space<semaphore_mem>>) src(%dma_wait3A_97 : memref<128x64xf32, #tpu.memory_space<vmem>>) dst(%dma_wait3A_103 : memref<10112x64xf32, #tpu.memory_space<vmem_shared>>)
    %barrier3A_104 = arith.constant 0 : index
    tpu.barrier barrier_id(%barrier3A_104)
    "tpu.region"() ({
      %run_scoped3A = tpu.sem_alloc : memref<!tpu.dma_semaphore, #tpu.memory_space<semaphore_mem>>
      %dma_start3A_105 = arith.constant 0 : i32
      %dma_start3A_106 = tpu.memref_slice %arg6[%arg0, %mul3A_0, %dma_start3A_105] : memref<2x10112x64xf32, #tpu.memory_space<hbm>> -> memref<1x632x64xf32, #tpu.memory_space<hbm>>
      %dma_start3A_107 = tpu.memref_squeeze %dma_start3A_106 : memref<1x632x64xf32, #tpu.memory_space<hbm>> -> memref<632x64xf32, #tpu.memory_space<hbm>>
      %dma_start3A_108 = arith.constant 0 : i32
      %dma_start3A_109 = tpu.memref_slice %arg10[%mul3A_0, %dma_start3A_108] : memref<10112x64xf32, #tpu.memory_space<vmem_shared>> -> memref<632x64xf32, #tpu.memory_space<vmem_shared>>
      tpu.enqueue_dma source(%dma_start3A_109 : memref<632x64xf32, #tpu.memory_space<vmem_shared>>) target(%dma_start3A_107 : memref<632x64xf32, #tpu.memory_space<hbm>>) target_semaphore(%run_scoped3A : memref<!tpu.dma_semaphore, #tpu.memory_space<semaphore_mem>>)
      %dma_wait3A_110 = arith.constant 0 : i32
      %dma_wait3A_111 = tpu.memref_slice %arg6[%arg0, %mul3A_0, %dma_wait3A_110] : memref<2x10112x64xf32, #tpu.memory_space<hbm>> -> memref<1x632x64xf32, #tpu.memory_space<hbm>>
      %dma_wait3A_112 = tpu.memref_squeeze %dma_wait3A_111 : memref<1x632x64xf32, #tpu.memory_space<hbm>> -> memref<632x64xf32, #tpu.memory_space<hbm>>
      %dma_wait3A_113 = arith.constant 0 : i32
      %dma_wait3A_114 = tpu.memref_slice %arg10[%mul3A_0, %dma_wait3A_113] : memref<10112x64xf32, #tpu.memory_space<vmem_shared>> -> memref<632x64xf32, #tpu.memory_space<vmem_shared>>
      tpu.wait_dma2 semaphore(%run_scoped3A : memref<!tpu.dma_semaphore, #tpu.memory_space<semaphore_mem>>) src(%dma_wait3A_114 : memref<632x64xf32, #tpu.memory_space<vmem_shared>>) dst(%dma_wait3A_112 : memref<632x64xf32, #tpu.memory_space<hbm>>)
      tpu.yield
    }) : () -> ()
    return
  }
}

#map = affine_map<(d0, d1) -> (0, 0)>
#map1 = affine_map<(d0, d1) -> (0, 0, 0)>
module attributes {stable_mosaic.version = 14 : i64} {
  func.func @_sc_scatter(%arg0: i32, %arg1: i32, %arg2: memref<10000x64xf32, #tpu.memory_space<hbm>>, %arg3: memref<2624x128xi32, #tpu.memory_space<hbm>>, %arg4: memref<2624x128xi32, #tpu.memory_space<hbm>>, %arg5: memref<10112x64xf32, #tpu.memory_space<hbm>>, %arg6: memref<2x10112x64xf32, #tpu.memory_space<hbm>>, %arg7: memref<80x128xi32, #tpu.memory_space<vmem>>, %arg8: memref<80x128xi32, #tpu.memory_space<vmem>>, %arg9: memref<2x128x64xf32, #tpu.memory_space<vmem>>, %arg10: memref<10112x64xf32, #tpu.memory_space<vmem_shared>>, %arg11: memref<!tpu.dma_semaphore, #tpu.memory_space<semaphore_mem>>, %arg12: memref<!tpu.dma_semaphore, #tpu.memory_space<semaphore_mem>>, %arg13: memref<!tpu.dma_semaphore, #tpu.memory_space<semaphore_mem>>, %arg14: memref<!tpu.dma_semaphore, #tpu.memory_space<semaphore_mem>>) attributes {dimension_semantics = [#tpu.dimension_semantics<core_parallel>, #tpu.dimension_semantics<subcore_parallel>], iteration_bounds = array<i64: 2, 16>, scalar_prefetch = 0 : i64, scratch_operands = 8 : i64, tpu.core_type = #tpu.core_type<sc_vector_subcore>, window_params = [{transform_indices = #map}, {transform_indices = #map}, {transform_indices = #map}, {transform_indices = #map}, {transform_indices = #map1}]} {
    %mul3A = arith.constant 632 : i32
    %mul3A_0 = arith.muli %arg1, %mul3A : i32
    %mul3A_1 = arith.constant 2 : i32
    %mul3A_2 = arith.muli %arg1, %mul3A_1 : i32
    %add3A = arith.addi %mul3A_2, %arg0 : i32
    %mul3A_3 = arith.constant 80 : i32
    %mul3A_4 = arith.muli %add3A, %mul3A_3 : i32
    "tpu.region"() ({
      %run_scoped3A = tpu.sem_alloc : memref<!tpu.dma_semaphore, #tpu.memory_space<semaphore_mem>>
      %dma_start3A_105 = arith.constant 0 : i32
      %dma_start3A_106 = tpu.memref_slice %arg10[%mul3A_0, %dma_start3A_105] : memref<10112x64xf32, #tpu.memory_space<vmem_shared>> -> memref<632x64xf32, #tpu.memory_space<vmem_shared>>
      %dma_start3A_107 = arith.constant 0 : i32
      %dma_start3A_108 = tpu.memref_slice %arg5[%mul3A_0, %dma_start3A_107] : memref<10112x64xf32, #tpu.memory_space<hbm>> -> memref<632x64xf32, #tpu.memory_space<hbm>>
      tpu.enqueue_dma source(%dma_start3A_108 : memref<632x64xf32, #tpu.memory_space<hbm>>) target(%dma_start3A_106 : memref<632x64xf32, #tpu.memory_space<vmem_shared>>) target_semaphore(%run_scoped3A : memref<!tpu.dma_semaphore, #tpu.memory_space<semaphore_mem>>)
      %dma_wait3A_109 = arith.constant 0 : i32
      %dma_wait3A_110 = tpu.memref_slice %arg10[%mul3A_0, %dma_wait3A_109] : memref<10112x64xf32, #tpu.memory_space<vmem_shared>> -> memref<632x64xf32, #tpu.memory_space<vmem_shared>>
      %dma_wait3A_111 = arith.constant 0 : i32
      %dma_wait3A_112 = tpu.memref_slice %arg5[%mul3A_0, %dma_wait3A_111] : memref<10112x64xf32, #tpu.memory_space<hbm>> -> memref<632x64xf32, #tpu.memory_space<hbm>>
      tpu.wait_dma2 semaphore(%run_scoped3A : memref<!tpu.dma_semaphore, #tpu.memory_space<semaphore_mem>>) src(%dma_wait3A_112 : memref<632x64xf32, #tpu.memory_space<hbm>>) dst(%dma_wait3A_110 : memref<632x64xf32, #tpu.memory_space<vmem_shared>>)
      tpu.yield
    }) : () -> ()
    "tpu.region"() ({
      %run_scoped3A = tpu.sem_alloc : memref<!tpu.dma_semaphore, #tpu.memory_space<semaphore_mem>>
      %dma_start3A_105 = arith.constant 0 : i32
      %dma_start3A_106 = tpu.memref_slice %arg3[%mul3A_4, %dma_start3A_105] : memref<2624x128xi32, #tpu.memory_space<hbm>> -> memref<80x128xi32, #tpu.memory_space<hbm>>
      %dma_start3A_107 = arith.constant 0 : i32
      %dma_start3A_108 = tpu.memref_slice %arg3[%mul3A_4, %dma_start3A_107] : memref<2624x128xi32, #tpu.memory_space<hbm>> -> memref<80x128xi32, #tpu.memory_space<hbm>>
      tpu.enqueue_dma source(%dma_start3A_108 : memref<80x128xi32, #tpu.memory_space<hbm>>) target(%arg7 : memref<80x128xi32, #tpu.memory_space<vmem>>) target_semaphore(%run_scoped3A : memref<!tpu.dma_semaphore, #tpu.memory_space<semaphore_mem>>)
      %dma_wait3A_109 = arith.constant 0 : i32
      %dma_wait3A_110 = tpu.memref_slice %arg3[%mul3A_4, %dma_wait3A_109] : memref<2624x128xi32, #tpu.memory_space<hbm>> -> memref<80x128xi32, #tpu.memory_space<hbm>>
      %dma_wait3A_111 = arith.constant 0 : i32
      %dma_wait3A_112 = tpu.memref_slice %arg3[%mul3A_4, %dma_wait3A_111] : memref<2624x128xi32, #tpu.memory_space<hbm>> -> memref<80x128xi32, #tpu.memory_space<hbm>>
      tpu.wait_dma2 semaphore(%run_scoped3A : memref<!tpu.dma_semaphore, #tpu.memory_space<semaphore_mem>>) src(%dma_wait3A_112 : memref<80x128xi32, #tpu.memory_space<hbm>>) dst(%arg7 : memref<80x128xi32, #tpu.memory_space<vmem>>)
      tpu.yield
    }) : () -> ()
    "tpu.region"() ({
      %run_scoped3A = tpu.sem_alloc : memref<!tpu.dma_semaphore, #tpu.memory_space<semaphore_mem>>
      %dma_start3A_105 = arith.constant 0 : i32
      %dma_start3A_106 = tpu.memref_slice %arg4[%mul3A_4, %dma_start3A_105] : memref<2624x128xi32, #tpu.memory_space<hbm>> -> memref<80x128xi32, #tpu.memory_space<hbm>>
      %dma_start3A_107 = arith.constant 0 : i32
      %dma_start3A_108 = tpu.memref_slice %arg4[%mul3A_4, %dma_start3A_107] : memref<2624x128xi32, #tpu.memory_space<hbm>> -> memref<80x128xi32, #tpu.memory_space<hbm>>
      tpu.enqueue_dma source(%dma_start3A_108 : memref<80x128xi32, #tpu.memory_space<hbm>>) target(%arg8 : memref<80x128xi32, #tpu.memory_space<vmem>>) target_semaphore(%run_scoped3A : memref<!tpu.dma_semaphore, #tpu.memory_space<semaphore_mem>>)
      %dma_wait3A_109 = arith.constant 0 : i32
      %dma_wait3A_110 = tpu.memref_slice %arg4[%mul3A_4, %dma_wait3A_109] : memref<2624x128xi32, #tpu.memory_space<hbm>> -> memref<80x128xi32, #tpu.memory_space<hbm>>
      %dma_wait3A_111 = arith.constant 0 : i32
      %dma_wait3A_112 = tpu.memref_slice %arg4[%mul3A_4, %dma_wait3A_111] : memref<2624x128xi32, #tpu.memory_space<hbm>> -> memref<80x128xi32, #tpu.memory_space<hbm>>
      tpu.wait_dma2 semaphore(%run_scoped3A : memref<!tpu.dma_semaphore, #tpu.memory_space<semaphore_mem>>) src(%dma_wait3A_112 : memref<80x128xi32, #tpu.memory_space<hbm>>) dst(%arg8 : memref<80x128xi32, #tpu.memory_space<vmem>>)
      tpu.yield
    }) : () -> ()
    %barrier3A = arith.constant 0 : index
    tpu.barrier barrier_id(%barrier3A)
    %dma_start3A = arith.constant 0 : i32
    %dma_start3A_5 = arith.constant 0 : i32
    %dma_start3A_6 = arith.constant 0 : i32
    %dma_start3A_7 = arith.constant 0 : i32
    %dma_start3A_8 = tpu.memref_slice %arg9[%dma_start3A_5, %dma_start3A_6, %dma_start3A_7] : memref<2x128x64xf32, #tpu.memory_space<vmem>> -> memref<1x128x64xf32, #tpu.memory_space<vmem>>
    %dma_start3A_9 = tpu.memref_squeeze %dma_start3A_8 : memref<1x128x64xf32, #tpu.memory_space<vmem>> -> memref<128x64xf32, #tpu.memory_space<vmem>>
    %dma_start3A_10 = arith.constant 0 : i32
    %dma_start3A_11 = tpu.memref_slice %arg7[%dma_start3A, %dma_start3A_10] : memref<80x128xi32, #tpu.memory_space<vmem>> -> memref<1x128xi32, #tpu.memory_space<vmem>>
    %dma_start3A_12 = tpu.memref_squeeze %dma_start3A_11 : memref<1x128xi32, #tpu.memory_space<vmem>> -> memref<128xi32, #tpu.memory_space<vmem>>
    %dma_start3A_13 = arith.constant 0 : i32
    %dma_start3A_14 = arith.constant 0 : i32
    %dma_start3A_15 = tpu.memref_slice %arg2[%dma_start3A_13, %dma_start3A_14] : memref<10000x64xf32, #tpu.memory_space<hbm>> -> memref<10000x64xf32, #tpu.memory_space<hbm>>
    tpu.enqueue_indirect_dma source(%dma_start3A_15 : memref<10000x64xf32, #tpu.memory_space<hbm>>) target(%dma_start3A_9 : memref<128x64xf32, #tpu.memory_space<vmem>>) offsets(%dma_start3A_12 : memref<128xi32, #tpu.memory_space<vmem>>) semaphore(%arg11 : memref<!tpu.dma_semaphore, #tpu.memory_space<semaphore_mem>>)
    %dma_start3A_16 = arith.constant 1 : i32
    %dma_start3A_17 = arith.constant 1 : i32
    %dma_start3A_18 = arith.constant 0 : i32
    %dma_start3A_19 = arith.constant 0 : i32
    %dma_start3A_20 = tpu.memref_slice %arg9[%dma_start3A_17, %dma_start3A_18, %dma_start3A_19] : memref<2x128x64xf32, #tpu.memory_space<vmem>> -> memref<1x128x64xf32, #tpu.memory_space<vmem>>
    %dma_start3A_21 = tpu.memref_squeeze %dma_start3A_20 : memref<1x128x64xf32, #tpu.memory_space<vmem>> -> memref<128x64xf32, #tpu.memory_space<vmem>>
    %dma_start3A_22 = arith.constant 0 : i32
    %dma_start3A_23 = tpu.memref_slice %arg7[%dma_start3A_16, %dma_start3A_22] : memref<80x128xi32, #tpu.memory_space<vmem>> -> memref<1x128xi32, #tpu.memory_space<vmem>>
    %dma_start3A_24 = tpu.memref_squeeze %dma_start3A_23 : memref<1x128xi32, #tpu.memory_space<vmem>> -> memref<128xi32, #tpu.memory_space<vmem>>
    %dma_start3A_25 = arith.constant 0 : i32
    %dma_start3A_26 = arith.constant 0 : i32
    %dma_start3A_27 = tpu.memref_slice %arg2[%dma_start3A_25, %dma_start3A_26] : memref<10000x64xf32, #tpu.memory_space<hbm>> -> memref<10000x64xf32, #tpu.memory_space<hbm>>
    tpu.enqueue_indirect_dma source(%dma_start3A_27 : memref<10000x64xf32, #tpu.memory_space<hbm>>) target(%dma_start3A_21 : memref<128x64xf32, #tpu.memory_space<vmem>>) offsets(%dma_start3A_24 : memref<128xi32, #tpu.memory_space<vmem>>) semaphore(%arg12 : memref<!tpu.dma_semaphore, #tpu.memory_space<semaphore_mem>>)
    %dma_wait3A = arith.constant 0 : i32
    %dma_wait3A_28 = arith.constant 0 : i32
    %dma_wait3A_29 = arith.constant 0 : i32
    %dma_wait3A_30 = arith.constant 0 : i32
    %dma_wait3A_31 = tpu.memref_slice %arg9[%dma_wait3A_28, %dma_wait3A_29, %dma_wait3A_30] : memref<2x128x64xf32, #tpu.memory_space<vmem>> -> memref<1x128x64xf32, #tpu.memory_space<vmem>>
    %dma_wait3A_32 = tpu.memref_squeeze %dma_wait3A_31 : memref<1x128x64xf32, #tpu.memory_space<vmem>> -> memref<128x64xf32, #tpu.memory_space<vmem>>
    %dma_wait3A_33 = arith.constant 0 : i32
    %dma_wait3A_34 = tpu.memref_slice %arg7[%dma_wait3A, %dma_wait3A_33] : memref<80x128xi32, #tpu.memory_space<vmem>> -> memref<1x128xi32, #tpu.memory_space<vmem>>
    %dma_wait3A_35 = tpu.memref_squeeze %dma_wait3A_34 : memref<1x128xi32, #tpu.memory_space<vmem>> -> memref<128xi32, #tpu.memory_space<vmem>>
    %dma_wait3A_36 = arith.constant 0 : i32
    %dma_wait3A_37 = arith.constant 0 : i32
    %dma_wait3A_38 = tpu.memref_slice %arg2[%dma_wait3A_36, %dma_wait3A_37] : memref<10000x64xf32, #tpu.memory_space<hbm>> -> memref<10000x64xf32, #tpu.memory_space<hbm>>
    tpu.wait_indirect_dma semaphore(%arg11 : memref<!tpu.dma_semaphore, #tpu.memory_space<semaphore_mem>>) src(%dma_wait3A_38 : memref<10000x64xf32, #tpu.memory_space<hbm>>) dst(%dma_wait3A_32 : memref<128x64xf32, #tpu.memory_space<vmem>>)
    %dma_start3A_39 = arith.constant 0 : i32
    %dma_start3A_40 = arith.constant 0 : i32
    %dma_start3A_41 = arith.constant 0 : i32
    %dma_start3A_42 = arith.constant 0 : i32
    %dma_start3A_43 = tpu.memref_slice %arg9[%dma_start3A_39, %dma_start3A_41, %dma_start3A_42] : memref<2x128x64xf32, #tpu.memory_space<vmem>> -> memref<1x128x64xf32, #tpu.memory_space<vmem>>
    %dma_start3A_44 = tpu.memref_squeeze %dma_start3A_43 : memref<1x128x64xf32, #tpu.memory_space<vmem>> -> memref<128x64xf32, #tpu.memory_space<vmem>>
    %dma_start3A_45 = arith.constant 0 : i32
    %dma_start3A_46 = tpu.memref_slice %arg8[%dma_start3A_40, %dma_start3A_45] : memref<80x128xi32, #tpu.memory_space<vmem>> -> memref<1x128xi32, #tpu.memory_space<vmem>>
    %dma_start3A_47 = tpu.memref_squeeze %dma_start3A_46 : memref<1x128xi32, #tpu.memory_space<vmem>> -> memref<128xi32, #tpu.memory_space<vmem>>
    %dma_start3A_48 = arith.constant 0 : i32
    %dma_start3A_49 = arith.constant 0 : i32
    %dma_start3A_50 = tpu.memref_slice %arg10[%dma_start3A_48, %dma_start3A_49] : memref<10112x64xf32, #tpu.memory_space<vmem_shared>> -> memref<10112x64xf32, #tpu.memory_space<vmem_shared>>
    tpu.enqueue_indirect_dma source(%dma_start3A_44 : memref<128x64xf32, #tpu.memory_space<vmem>>) target(%dma_start3A_50 : memref<10112x64xf32, #tpu.memory_space<vmem_shared>>) offsets(%dma_start3A_47 : memref<128xi32, #tpu.memory_space<vmem>>) semaphore(%arg13 : memref<!tpu.dma_semaphore, #tpu.memory_space<semaphore_mem>>) {add = true}
    %scan3A = arith.constant 0 : i32
    %scan3A_51 = arith.constant 0 : i32
    %scan3A_52 = arith.constant 39 : i32
    %scan3A_53 = arith.addi %scan3A_51, %scan3A_52 : i32
    %scan3A_54 = arith.constant 1 : i32
    scf.for %scan3A_105 = %scan3A_51 to %scan3A_53 step %scan3A_54  : i32 {
      %mul3A_106 = arith.constant 2 : i32
      %mul3A_107 = arith.muli %mul3A_106, %scan3A_105 : i32
      %add3A_108 = arith.constant 1 : i32
      %add3A_109 = arith.addi %mul3A_107, %add3A_108 : i32
      %sub3A = arith.constant 1 : i32
      %sub3A_110 = arith.subi %add3A_109, %sub3A : i32
      %dma_wait3A_111 = arith.constant 0 : i32
      %dma_wait3A_112 = arith.constant 0 : i32
      %dma_wait3A_113 = arith.constant 0 : i32
      %dma_wait3A_114 = tpu.memref_slice %arg9[%dma_wait3A_111, %dma_wait3A_112, %dma_wait3A_113] : memref<2x128x64xf32, #tpu.memory_space<vmem>> -> memref<1x128x64xf32, #tpu.memory_space<vmem>>
      %dma_wait3A_115 = tpu.memref_squeeze %dma_wait3A_114 : memref<1x128x64xf32, #tpu.memory_space<vmem>> -> memref<128x64xf32, #tpu.memory_space<vmem>>
      %dma_wait3A_116 = arith.constant 0 : i32
      %dma_wait3A_117 = tpu.memref_slice %arg8[%sub3A_110, %dma_wait3A_116] : memref<80x128xi32, #tpu.memory_space<vmem>> -> memref<1x128xi32, #tpu.memory_space<vmem>>
      %dma_wait3A_118 = tpu.memref_squeeze %dma_wait3A_117 : memref<1x128xi32, #tpu.memory_space<vmem>> -> memref<128xi32, #tpu.memory_space<vmem>>
      %dma_wait3A_119 = arith.constant 0 : i32
      %dma_wait3A_120 = arith.constant 0 : i32
      %dma_wait3A_121 = tpu.memref_slice %arg10[%dma_wait3A_119, %dma_wait3A_120] : memref<10112x64xf32, #tpu.memory_space<vmem_shared>> -> memref<10112x64xf32, #tpu.memory_space<vmem_shared>>
      tpu.wait_indirect_dma semaphore(%arg13 : memref<!tpu.dma_semaphore, #tpu.memory_space<semaphore_mem>>) src(%dma_wait3A_115 : memref<128x64xf32, #tpu.memory_space<vmem>>) dst(%dma_wait3A_121 : memref<10112x64xf32, #tpu.memory_space<vmem_shared>>)
      %add3A_122 = arith.constant 1 : i32
      %add3A_123 = arith.addi %add3A_109, %add3A_122 : i32
      %dma_start3A_124 = arith.constant 0 : i32
      %dma_start3A_125 = arith.constant 0 : i32
      %dma_start3A_126 = arith.constant 0 : i32
      %dma_start3A_127 = tpu.memref_slice %arg9[%dma_start3A_124, %dma_start3A_125, %dma_start3A_126] : memref<2x128x64xf32, #tpu.memory_space<vmem>> -> memref<1x128x64xf32, #tpu.memory_space<vmem>>
      %dma_start3A_128 = tpu.memref_squeeze %dma_start3A_127 : memref<1x128x64xf32, #tpu.memory_space<vmem>> -> memref<128x64xf32, #tpu.memory_space<vmem>>
      %dma_start3A_129 = arith.constant 0 : i32
      %dma_start3A_130 = tpu.memref_slice %arg7[%add3A_123, %dma_start3A_129] : memref<80x128xi32, #tpu.memory_space<vmem>> -> memref<1x128xi32, #tpu.memory_space<vmem>>
      %dma_start3A_131 = tpu.memref_squeeze %dma_start3A_130 : memref<1x128xi32, #tpu.memory_space<vmem>> -> memref<128xi32, #tpu.memory_space<vmem>>
      %dma_start3A_132 = arith.constant 0 : i32
      %dma_start3A_133 = arith.constant 0 : i32
      %dma_start3A_134 = tpu.memref_slice %arg2[%dma_start3A_132, %dma_start3A_133] : memref<10000x64xf32, #tpu.memory_space<hbm>> -> memref<10000x64xf32, #tpu.memory_space<hbm>>
      tpu.enqueue_indirect_dma source(%dma_start3A_134 : memref<10000x64xf32, #tpu.memory_space<hbm>>) target(%dma_start3A_128 : memref<128x64xf32, #tpu.memory_space<vmem>>) offsets(%dma_start3A_131 : memref<128xi32, #tpu.memory_space<vmem>>) semaphore(%arg11 : memref<!tpu.dma_semaphore, #tpu.memory_space<semaphore_mem>>)
      %dma_wait3A_135 = arith.constant 1 : i32
      %dma_wait3A_136 = arith.constant 0 : i32
      %dma_wait3A_137 = arith.constant 0 : i32
      %dma_wait3A_138 = tpu.memref_slice %arg9[%dma_wait3A_135, %dma_wait3A_136, %dma_wait3A_137] : memref<2x128x64xf32, #tpu.memory_space<vmem>> -> memref<1x128x64xf32, #tpu.memory_space<vmem>>
      %dma_wait3A_139 = tpu.memref_squeeze %dma_wait3A_138 : memref<1x128x64xf32, #tpu.memory_space<vmem>> -> memref<128x64xf32, #tpu.memory_space<vmem>>
      %dma_wait3A_140 = arith.constant 0 : i32
      %dma_wait3A_141 = tpu.memref_slice %arg7[%add3A_109, %dma_wait3A_140] : memref<80x128xi32, #tpu.memory_space<vmem>> -> memref<1x128xi32, #tpu.memory_space<vmem>>
      %dma_wait3A_142 = tpu.memref_squeeze %dma_wait3A_141 : memref<1x128xi32, #tpu.memory_space<vmem>> -> memref<128xi32, #tpu.memory_space<vmem>>
      %dma_wait3A_143 = arith.constant 0 : i32
      %dma_wait3A_144 = arith.constant 0 : i32
      %dma_wait3A_145 = tpu.memref_slice %arg2[%dma_wait3A_143, %dma_wait3A_144] : memref<10000x64xf32, #tpu.memory_space<hbm>> -> memref<10000x64xf32, #tpu.memory_space<hbm>>
      tpu.wait_indirect_dma semaphore(%arg12 : memref<!tpu.dma_semaphore, #tpu.memory_space<semaphore_mem>>) src(%dma_wait3A_145 : memref<10000x64xf32, #tpu.memory_space<hbm>>) dst(%dma_wait3A_139 : memref<128x64xf32, #tpu.memory_space<vmem>>)
      %dma_start3A_146 = arith.constant 1 : i32
      %dma_start3A_147 = arith.constant 0 : i32
      %dma_start3A_148 = arith.constant 0 : i32
      %dma_start3A_149 = tpu.memref_slice %arg9[%dma_start3A_146, %dma_start3A_147, %dma_start3A_148] : memref<2x128x64xf32, #tpu.memory_space<vmem>> -> memref<1x128x64xf32, #tpu.memory_space<vmem>>
      %dma_start3A_150 = tpu.memref_squeeze %dma_start3A_149 : memref<1x128x64xf32, #tpu.memory_space<vmem>> -> memref<128x64xf32, #tpu.memory_space<vmem>>
      %dma_start3A_151 = arith.constant 0 : i32
      %dma_start3A_152 = tpu.memref_slice %arg8[%add3A_109, %dma_start3A_151] : memref<80x128xi32, #tpu.memory_space<vmem>> -> memref<1x128xi32, #tpu.memory_space<vmem>>
      %dma_start3A_153 = tpu.memref_squeeze %dma_start3A_152 : memref<1x128xi32, #tpu.memory_space<vmem>> -> memref<128xi32, #tpu.memory_space<vmem>>
      %dma_start3A_154 = arith.constant 0 : i32
      %dma_start3A_155 = arith.constant 0 : i32
      %dma_start3A_156 = tpu.memref_slice %arg10[%dma_start3A_154, %dma_start3A_155] : memref<10112x64xf32, #tpu.memory_space<vmem_shared>> -> memref<10112x64xf32, #tpu.memory_space<vmem_shared>>
      tpu.enqueue_indirect_dma source(%dma_start3A_150 : memref<128x64xf32, #tpu.memory_space<vmem>>) target(%dma_start3A_156 : memref<10112x64xf32, #tpu.memory_space<vmem_shared>>) offsets(%dma_start3A_153 : memref<128xi32, #tpu.memory_space<vmem>>) semaphore(%arg14 : memref<!tpu.dma_semaphore, #tpu.memory_space<semaphore_mem>>) {add = true}
      %dma_wait3A_157 = arith.constant 1 : i32
      %dma_wait3A_158 = arith.constant 0 : i32
      %dma_wait3A_159 = arith.constant 0 : i32
      %dma_wait3A_160 = tpu.memref_slice %arg9[%dma_wait3A_157, %dma_wait3A_158, %dma_wait3A_159] : memref<2x128x64xf32, #tpu.memory_space<vmem>> -> memref<1x128x64xf32, #tpu.memory_space<vmem>>
      %dma_wait3A_161 = tpu.memref_squeeze %dma_wait3A_160 : memref<1x128x64xf32, #tpu.memory_space<vmem>> -> memref<128x64xf32, #tpu.memory_space<vmem>>
      %dma_wait3A_162 = arith.constant 0 : i32
      %dma_wait3A_163 = tpu.memref_slice %arg8[%add3A_109, %dma_wait3A_162] : memref<80x128xi32, #tpu.memory_space<vmem>> -> memref<1x128xi32, #tpu.memory_space<vmem>>
      %dma_wait3A_164 = tpu.memref_squeeze %dma_wait3A_163 : memref<1x128xi32, #tpu.memory_space<vmem>> -> memref<128xi32, #tpu.memory_space<vmem>>
      %dma_wait3A_165 = arith.constant 0 : i32
      %dma_wait3A_166 = arith.constant 0 : i32
      %dma_wait3A_167 = tpu.memref_slice %arg10[%dma_wait3A_165, %dma_wait3A_166] : memref<10112x64xf32, #tpu.memory_space<vmem_shared>> -> memref<10112x64xf32, #tpu.memory_space<vmem_shared>>
      tpu.wait_indirect_dma semaphore(%arg14 : memref<!tpu.dma_semaphore, #tpu.memory_space<semaphore_mem>>) src(%dma_wait3A_161 : memref<128x64xf32, #tpu.memory_space<vmem>>) dst(%dma_wait3A_167 : memref<10112x64xf32, #tpu.memory_space<vmem_shared>>)
      %add3A_168 = arith.constant 2 : i32
      %add3A_169 = arith.addi %add3A_109, %add3A_168 : i32
      %dma_start3A_170 = arith.constant 1 : i32
      %dma_start3A_171 = arith.constant 0 : i32
      %dma_start3A_172 = arith.constant 0 : i32
      %dma_start3A_173 = tpu.memref_slice %arg9[%dma_start3A_170, %dma_start3A_171, %dma_start3A_172] : memref<2x128x64xf32, #tpu.memory_space<vmem>> -> memref<1x128x64xf32, #tpu.memory_space<vmem>>
      %dma_start3A_174 = tpu.memref_squeeze %dma_start3A_173 : memref<1x128x64xf32, #tpu.memory_space<vmem>> -> memref<128x64xf32, #tpu.memory_space<vmem>>
      %dma_start3A_175 = arith.constant 0 : i32
      %dma_start3A_176 = tpu.memref_slice %arg7[%add3A_169, %dma_start3A_175] : memref<80x128xi32, #tpu.memory_space<vmem>> -> memref<1x128xi32, #tpu.memory_space<vmem>>
      %dma_start3A_177 = tpu.memref_squeeze %dma_start3A_176 : memref<1x128xi32, #tpu.memory_space<vmem>> -> memref<128xi32, #tpu.memory_space<vmem>>
      %dma_start3A_178 = arith.constant 0 : i32
      %dma_start3A_179 = arith.constant 0 : i32
      %dma_start3A_180 = tpu.memref_slice %arg2[%dma_start3A_178, %dma_start3A_179] : memref<10000x64xf32, #tpu.memory_space<hbm>> -> memref<10000x64xf32, #tpu.memory_space<hbm>>
      tpu.enqueue_indirect_dma source(%dma_start3A_180 : memref<10000x64xf32, #tpu.memory_space<hbm>>) target(%dma_start3A_174 : memref<128x64xf32, #tpu.memory_space<vmem>>) offsets(%dma_start3A_177 : memref<128xi32, #tpu.memory_space<vmem>>) semaphore(%arg12 : memref<!tpu.dma_semaphore, #tpu.memory_space<semaphore_mem>>)
      %add3A_181 = arith.constant 1 : i32
      %add3A_182 = arith.addi %add3A_109, %add3A_181 : i32
      %dma_wait3A_183 = arith.constant 0 : i32
      %dma_wait3A_184 = arith.constant 0 : i32
      %dma_wait3A_185 = arith.constant 0 : i32
      %dma_wait3A_186 = tpu.memref_slice %arg9[%dma_wait3A_183, %dma_wait3A_184, %dma_wait3A_185] : memref<2x128x64xf32, #tpu.memory_space<vmem>> -> memref<1x128x64xf32, #tpu.memory_space<vmem>>
      %dma_wait3A_187 = tpu.memref_squeeze %dma_wait3A_186 : memref<1x128x64xf32, #tpu.memory_space<vmem>> -> memref<128x64xf32, #tpu.memory_space<vmem>>
      %dma_wait3A_188 = arith.constant 0 : i32
      %dma_wait3A_189 = tpu.memref_slice %arg7[%add3A_182, %dma_wait3A_188] : memref<80x128xi32, #tpu.memory_space<vmem>> -> memref<1x128xi32, #tpu.memory_space<vmem>>
      %dma_wait3A_190 = tpu.memref_squeeze %dma_wait3A_189 : memref<1x128xi32, #tpu.memory_space<vmem>> -> memref<128xi32, #tpu.memory_space<vmem>>
      %dma_wait3A_191 = arith.constant 0 : i32
      %dma_wait3A_192 = arith.constant 0 : i32
      %dma_wait3A_193 = tpu.memref_slice %arg2[%dma_wait3A_191, %dma_wait3A_192] : memref<10000x64xf32, #tpu.memory_space<hbm>> -> memref<10000x64xf32, #tpu.memory_space<hbm>>
      tpu.wait_indirect_dma semaphore(%arg11 : memref<!tpu.dma_semaphore, #tpu.memory_space<semaphore_mem>>) src(%dma_wait3A_193 : memref<10000x64xf32, #tpu.memory_space<hbm>>) dst(%dma_wait3A_187 : memref<128x64xf32, #tpu.memory_space<vmem>>)
      %add3A_194 = arith.constant 1 : i32
      %add3A_195 = arith.addi %add3A_109, %add3A_194 : i32
      %dma_start3A_196 = arith.constant 0 : i32
      %dma_start3A_197 = arith.constant 0 : i32
      %dma_start3A_198 = arith.constant 0 : i32
      %dma_start3A_199 = tpu.memref_slice %arg9[%dma_start3A_196, %dma_start3A_197, %dma_start3A_198] : memref<2x128x64xf32, #tpu.memory_space<vmem>> -> memref<1x128x64xf32, #tpu.memory_space<vmem>>
      %dma_start3A_200 = tpu.memref_squeeze %dma_start3A_199 : memref<1x128x64xf32, #tpu.memory_space<vmem>> -> memref<128x64xf32, #tpu.memory_space<vmem>>
      %dma_start3A_201 = arith.constant 0 : i32
      %dma_start3A_202 = tpu.memref_slice %arg8[%add3A_195, %dma_start3A_201] : memref<80x128xi32, #tpu.memory_space<vmem>> -> memref<1x128xi32, #tpu.memory_space<vmem>>
      %dma_start3A_203 = tpu.memref_squeeze %dma_start3A_202 : memref<1x128xi32, #tpu.memory_space<vmem>> -> memref<128xi32, #tpu.memory_space<vmem>>
      %dma_start3A_204 = arith.constant 0 : i32
      %dma_start3A_205 = arith.constant 0 : i32
      %dma_start3A_206 = tpu.memref_slice %arg10[%dma_start3A_204, %dma_start3A_205] : memref<10112x64xf32, #tpu.memory_space<vmem_shared>> -> memref<10112x64xf32, #tpu.memory_space<vmem_shared>>
      tpu.enqueue_indirect_dma source(%dma_start3A_200 : memref<128x64xf32, #tpu.memory_space<vmem>>) target(%dma_start3A_206 : memref<10112x64xf32, #tpu.memory_space<vmem_shared>>) offsets(%dma_start3A_203 : memref<128xi32, #tpu.memory_space<vmem>>) semaphore(%arg13 : memref<!tpu.dma_semaphore, #tpu.memory_space<semaphore_mem>>) {add = true}
    }
    %scan3A_55 = arith.constant 39 : i32
    %dma_wait3A_56 = arith.constant 0 : i32
    %dma_wait3A_57 = arith.constant 78 : i32
    %dma_wait3A_58 = arith.constant 0 : i32
    %dma_wait3A_59 = arith.constant 0 : i32
    %dma_wait3A_60 = tpu.memref_slice %arg9[%dma_wait3A_56, %dma_wait3A_58, %dma_wait3A_59] : memref<2x128x64xf32, #tpu.memory_space<vmem>> -> memref<1x128x64xf32, #tpu.memory_space<vmem>>
    %dma_wait3A_61 = tpu.memref_squeeze %dma_wait3A_60 : memref<1x128x64xf32, #tpu.memory_space<vmem>> -> memref<128x64xf32, #tpu.memory_space<vmem>>
    %dma_wait3A_62 = arith.constant 0 : i32
    %dma_wait3A_63 = tpu.memref_slice %arg8[%dma_wait3A_57, %dma_wait3A_62] : memref<80x128xi32, #tpu.memory_space<vmem>> -> memref<1x128xi32, #tpu.memory_space<vmem>>
    %dma_wait3A_64 = tpu.memref_squeeze %dma_wait3A_63 : memref<1x128xi32, #tpu.memory_space<vmem>> -> memref<128xi32, #tpu.memory_space<vmem>>
    %dma_wait3A_65 = arith.constant 0 : i32
    %dma_wait3A_66 = arith.constant 0 : i32
    %dma_wait3A_67 = tpu.memref_slice %arg10[%dma_wait3A_65, %dma_wait3A_66] : memref<10112x64xf32, #tpu.memory_space<vmem_shared>> -> memref<10112x64xf32, #tpu.memory_space<vmem_shared>>
    tpu.wait_indirect_dma semaphore(%arg13 : memref<!tpu.dma_semaphore, #tpu.memory_space<semaphore_mem>>) src(%dma_wait3A_61 : memref<128x64xf32, #tpu.memory_space<vmem>>) dst(%dma_wait3A_67 : memref<10112x64xf32, #tpu.memory_space<vmem_shared>>)
    %dma_wait3A_68 = arith.constant 79 : i32
    %dma_wait3A_69 = arith.constant 1 : i32
    %dma_wait3A_70 = arith.constant 0 : i32
    %dma_wait3A_71 = arith.constant 0 : i32
    %dma_wait3A_72 = tpu.memref_slice %arg9[%dma_wait3A_69, %dma_wait3A_70, %dma_wait3A_71] : memref<2x128x64xf32, #tpu.memory_space<vmem>> -> memref<1x128x64xf32, #tpu.memory_space<vmem>>
    %dma_wait3A_73 = tpu.memref_squeeze %dma_wait3A_72 : memref<1x128x64xf32, #tpu.memory_space<vmem>> -> memref<128x64xf32, #tpu.memory_space<vmem>>
    %dma_wait3A_74 = arith.constant 0 : i32
    %dma_wait3A_75 = tpu.memref_slice %arg7[%dma_wait3A_68, %dma_wait3A_74] : memref<80x128xi32, #tpu.memory_space<vmem>> -> memref<1x128xi32, #tpu.memory_space<vmem>>
    %dma_wait3A_76 = tpu.memref_squeeze %dma_wait3A_75 : memref<1x128xi32, #tpu.memory_space<vmem>> -> memref<128xi32, #tpu.memory_space<vmem>>
    %dma_wait3A_77 = arith.constant 0 : i32
    %dma_wait3A_78 = arith.constant 0 : i32
    %dma_wait3A_79 = tpu.memref_slice %arg2[%dma_wait3A_77, %dma_wait3A_78] : memref<10000x64xf32, #tpu.memory_space<hbm>> -> memref<10000x64xf32, #tpu.memory_space<hbm>>
    tpu.wait_indirect_dma semaphore(%arg12 : memref<!tpu.dma_semaphore, #tpu.memory_space<semaphore_mem>>) src(%dma_wait3A_79 : memref<10000x64xf32, #tpu.memory_space<hbm>>) dst(%dma_wait3A_73 : memref<128x64xf32, #tpu.memory_space<vmem>>)
    %dma_start3A_80 = arith.constant 1 : i32
    %dma_start3A_81 = arith.constant 79 : i32
    %dma_start3A_82 = arith.constant 0 : i32
    %dma_start3A_83 = arith.constant 0 : i32
    %dma_start3A_84 = tpu.memref_slice %arg9[%dma_start3A_80, %dma_start3A_82, %dma_start3A_83] : memref<2x128x64xf32, #tpu.memory_space<vmem>> -> memref<1x128x64xf32, #tpu.memory_space<vmem>>
    %dma_start3A_85 = tpu.memref_squeeze %dma_start3A_84 : memref<1x128x64xf32, #tpu.memory_space<vmem>> -> memref<128x64xf32, #tpu.memory_space<vmem>>
    %dma_start3A_86 = arith.constant 0 : i32
    %dma_start3A_87 = tpu.memref_slice %arg8[%dma_start3A_81, %dma_start3A_86] : memref<80x128xi32, #tpu.memory_space<vmem>> -> memref<1x128xi32, #tpu.memory_space<vmem>>
    %dma_start3A_88 = tpu.memref_squeeze %dma_start3A_87 : memref<1x128xi32, #tpu.memory_space<vmem>> -> memref<128xi32, #tpu.memory_space<vmem>>
    %dma_start3A_89 = arith.constant 0 : i32
    %dma_start3A_90 = arith.constant 0 : i32
    %dma_start3A_91 = tpu.memref_slice %arg10[%dma_start3A_89, %dma_start3A_90] : memref<10112x64xf32, #tpu.memory_space<vmem_shared>> -> memref<10112x64xf32, #tpu.memory_space<vmem_shared>>
    tpu.enqueue_indirect_dma source(%dma_start3A_85 : memref<128x64xf32, #tpu.memory_space<vmem>>) target(%dma_start3A_91 : memref<10112x64xf32, #tpu.memory_space<vmem_shared>>) offsets(%dma_start3A_88 : memref<128xi32, #tpu.memory_space<vmem>>) semaphore(%arg14 : memref<!tpu.dma_semaphore, #tpu.memory_space<semaphore_mem>>) {add = true}
    %dma_wait3A_92 = arith.constant 1 : i32
    %dma_wait3A_93 = arith.constant 79 : i32
    %dma_wait3A_94 = arith.constant 0 : i32
    %dma_wait3A_95 = arith.constant 0 : i32
    %dma_wait3A_96 = tpu.memref_slice %arg9[%dma_wait3A_92, %dma_wait3A_94, %dma_wait3A_95] : memref<2x128x64xf32, #tpu.memory_space<vmem>> -> memref<1x128x64xf32, #tpu.memory_space<vmem>>
    %dma_wait3A_97 = tpu.memref_squeeze %dma_wait3A_96 : memref<1x128x64xf32, #tpu.memory_space<vmem>> -> memref<128x64xf32, #tpu.memory_space<vmem>>
    %dma_wait3A_98 = arith.constant 0 : i32
    %dma_wait3A_99 = tpu.memref_slice %arg8[%dma_wait3A_93, %dma_wait3A_98] : memref<80x128xi32, #tpu.memory_space<vmem>> -> memref<1x128xi32, #tpu.memory_space<vmem>>
    %dma_wait3A_100 = tpu.memref_squeeze %dma_wait3A_99 : memref<1x128xi32, #tpu.memory_space<vmem>> -> memref<128xi32, #tpu.memory_space<vmem>>
    %dma_wait3A_101 = arith.constant 0 : i32
    %dma_wait3A_102 = arith.constant 0 : i32
    %dma_wait3A_103 = tpu.memref_slice %arg10[%dma_wait3A_101, %dma_wait3A_102] : memref<10112x64xf32, #tpu.memory_space<vmem_shared>> -> memref<10112x64xf32, #tpu.memory_space<vmem_shared>>
    tpu.wait_indirect_dma semaphore(%arg14 : memref<!tpu.dma_semaphore, #tpu.memory_space<semaphore_mem>>) src(%dma_wait3A_97 : memref<128x64xf32, #tpu.memory_space<vmem>>) dst(%dma_wait3A_103 : memref<10112x64xf32, #tpu.memory_space<vmem_shared>>)
    %barrier3A_104 = arith.constant 0 : index
    tpu.barrier barrier_id(%barrier3A_104)
    "tpu.region"() ({
      %run_scoped3A = tpu.sem_alloc : memref<!tpu.dma_semaphore, #tpu.memory_space<semaphore_mem>>
      %dma_start3A_105 = arith.constant 0 : i32
      %dma_start3A_106 = tpu.memref_slice %arg6[%arg0, %mul3A_0, %dma_start3A_105] : memref<2x10112x64xf32, #tpu.memory_space<hbm>> -> memref<1x632x64xf32, #tpu.memory_space<hbm>>
      %dma_start3A_107 = tpu.memref_squeeze %dma_start3A_106 : memref<1x632x64xf32, #tpu.memory_space<hbm>> -> memref<632x64xf32, #tpu.memory_space<hbm>>
      %dma_start3A_108 = arith.constant 0 : i32
      %dma_start3A_109 = tpu.memref_slice %arg10[%mul3A_0, %dma_start3A_108] : memref<10112x64xf32, #tpu.memory_space<vmem_shared>> -> memref<632x64xf32, #tpu.memory_space<vmem_shared>>
      tpu.enqueue_dma source(%dma_start3A_109 : memref<632x64xf32, #tpu.memory_space<vmem_shared>>) target(%dma_start3A_107 : memref<632x64xf32, #tpu.memory_space<hbm>>) target_semaphore(%run_scoped3A : memref<!tpu.dma_semaphore, #tpu.memory_space<semaphore_mem>>)
      %dma_wait3A_110 = arith.constant 0 : i32
      %dma_wait3A_111 = tpu.memref_slice %arg6[%arg0, %mul3A_0, %dma_wait3A_110] : memref<2x10112x64xf32, #tpu.memory_space<hbm>> -> memref<1x632x64xf32, #tpu.memory_space<hbm>>
      %dma_wait3A_112 = tpu.memref_squeeze %dma_wait3A_111 : memref<1x632x64xf32, #tpu.memory_space<hbm>> -> memref<632x64xf32, #tpu.memory_space<hbm>>
      %dma_wait3A_113 = arith.constant 0 : i32
      %dma_wait3A_114 = tpu.memref_slice %arg10[%mul3A_0, %dma_wait3A_113] : memref<10112x64xf32, #tpu.memory_space<vmem_shared>> -> memref<632x64xf32, #tpu.memory_space<vmem_shared>>
      tpu.wait_dma2 semaphore(%run_scoped3A : memref<!tpu.dma_semaphore, #tpu.memory_space<semaphore_mem>>) src(%dma_wait3A_114 : memref<632x64xf32, #tpu.memory_space<vmem_shared>>) dst(%dma_wait3A_112 : memref<632x64xf32, #tpu.memory_space<hbm>>)
      tpu.yield
    }) : () -> ()
    return
  }
}

module attributes {stable_mosaic.version = 14 : i64} {
  func.func @_mm_body(%arg0: i32, %arg1: memref<1000x128xf32, #tpu.memory_space<vmem>>, %arg2: memref<128x64xf32, #tpu.memory_space<vmem>>, %arg3: memref<1000x64xf32, #tpu.memory_space<vmem>>) attributes {dimension_semantics = [#tpu.dimension_semantics<arbitrary>], iteration_bounds = array<i64: 10>, scalar_prefetch = 0 : i64, scratch_operands = 0 : i64, tpu.core_type = #tpu.core_type<tc>, window_params = [{transform_indices = @transform_0, window_bounds = array<i64: 1000, 128>}, {pipeline_mode = #tpu.pipeline_mode<synchronous>, transform_indices = @transform_1, window_bounds = array<i64: 128, 64>}, {transform_indices = @transform_2, window_bounds = array<i64: 1000, 64>}]} {
    %get3A = arith.constant 0 : index
    %get3A_0 = arith.constant 0 : index
    %get3A_1 = vector.load %arg1[%get3A, %get3A_0] : memref<1000x128xf32, #tpu.memory_space<vmem>>, vector<1000x128xf32>
    %get3A_2 = arith.constant 0 : index
    %get3A_3 = arith.constant 0 : index
    %get3A_4 = vector.load %arg2[%get3A_2, %get3A_3] : memref<128x64xf32, #tpu.memory_space<vmem>>, vector<128x64xf32>
    %dot_general3A = arith.constant dense<0.000000e+00> : vector<1000x64xf32>
    %dot_general3A_5 = tpu.matmul %get3A_1, %get3A_4, %dot_general3A {dimension_numbers = #tpu.dot_dimension_numbers<[1], [0], [0], [1], [0, 0, 1, 1], [], []>, transpose_lhs_hint = false} : vector<1000x128xf32>, vector<128x64xf32>, vector<1000x64xf32> -> vector<1000x64xf32>
    %swap3A = arith.constant 0 : index
    %swap3A_6 = arith.constant 0 : index
    %swap3A_7 = vector.load %arg3[%swap3A, %swap3A_6] : memref<1000x64xf32, #tpu.memory_space<vmem>>, vector<1000x64xf32>
    tpu.vector_store %arg3[%swap3A, %swap3A_6], %dot_general3A_5 {strides = array<i32>} : memref<1000x64xf32, #tpu.memory_space<vmem>>, vector<1000x64xf32>,
    return
  }
  func.func @transform_0(%arg0: i32) -> (i32, i32) {
    %c0_i32 = arith.constant 0 : i32
    %c0_i32_0 = arith.constant 0 : i32
    return %arg0, %c0_i32 : i32, i32
  }
  func.func @transform_1(%arg0: i32) -> (i32, i32) {
    %c0_i32 = arith.constant 0 : i32
    %c0_i32_0 = arith.constant 0 : i32
    %c0_i32_1 = arith.constant 0 : i32
    return %c0_i32, %c0_i32_0 : i32, i32
  }
  func.func @transform_2(%arg0: i32) -> (i32, i32) {
    %c0_i32 = arith.constant 0 : i32
    %c0_i32_0 = arith.constant 0 : i32
    return %arg0, %c0_i32 : i32, i32
  }
}

module attributes {stable_mosaic.version = 14 : i64} {
  func.func @_scale_body(%arg0: i32, %arg1: memref<1000x64xf32, #tpu.memory_space<vmem>>, %arg2: memref<2x1000x16xf32, #tpu.memory_space<vmem>>, %arg3: memref<1000x64xf32, #tpu.memory_space<vmem>>, %arg4: memref<1000x1xf32, #tpu.memory_space<vmem>>) attributes {dimension_semantics = [#tpu.dimension_semantics<arbitrary>], iteration_bounds = array<i64: 10>, scalar_prefetch = 0 : i64, scratch_operands = 0 : i64, tpu.core_type = #tpu.core_type<tc>, window_params = [{transform_indices = @transform_0, window_bounds = array<i64: 1000, 64>}, {transform_indices = @transform_1, window_bounds = array<i64: 2, 1000, 16>}, {transform_indices = @transform_2, window_bounds = array<i64: 1000, 64>}, {transform_indices = @transform_3, window_bounds = array<i64: 1000, 1>}]} {
    %get3A = arith.constant 0 : index
    %get3A_0 = arith.constant 0 : index
    %get3A_1 = arith.constant 0 : index
    %get3A_2 = vector.load %arg2[%get3A, %get3A_0, %get3A_1] : memref<2x1000x16xf32, #tpu.memory_space<vmem>>, vector<1x1000x1xf32>
    %get3A_3 = vector.shape_cast %get3A_2 : vector<1x1000x1xf32> to vector<1000x1xf32>
    %get3A_4 = arith.constant 1 : index
    %get3A_5 = arith.constant 0 : index
    %get3A_6 = arith.constant 0 : index
    %get3A_7 = vector.load %arg2[%get3A_4, %get3A_5, %get3A_6] : memref<2x1000x16xf32, #tpu.memory_space<vmem>>, vector<1x1000x1xf32>
    %get3A_8 = vector.shape_cast %get3A_7 : vector<1x1000x1xf32> to vector<1000x1xf32>
    %add3A = arith.addf %get3A_3, %get3A_8 : vector<1000x1xf32>
    %add3A_9 = arith.constant 1.000000e+00 : f32
    %add3A_10 = vector.broadcast %add3A_9 : f32 to vector<1000x1xf32>
    %add3A_11 = arith.addf %add3A, %add3A_10 : vector<1000x1xf32>
    %rsqrt3A = math.rsqrt %add3A_11 : vector<1000x1xf32>
    %swap3A = arith.constant 0 : index
    %swap3A_12 = arith.constant 0 : index
    %swap3A_13 = vector.load %arg4[%swap3A, %swap3A_12] : memref<1000x1xf32, #tpu.memory_space<vmem>>, vector<1000x1xf32>
    tpu.vector_store %arg4[%swap3A, %swap3A_12], %rsqrt3A {strides = array<i32>} : memref<1000x1xf32, #tpu.memory_space<vmem>>, vector<1000x1xf32>,
    %get3A_14 = arith.constant 0 : index
    %get3A_15 = arith.constant 0 : index
    %get3A_16 = vector.load %arg1[%get3A_14, %get3A_15] : memref<1000x64xf32, #tpu.memory_space<vmem>>, vector<1000x64xf32>
    %mul3A = vector.broadcast %rsqrt3A : vector<1000x1xf32> to vector<1000x64xf32>
    %mul3A_17 = arith.mulf %mul3A, %get3A_16 : vector<1000x64xf32>
    %swap3A_18 = arith.constant 0 : index
    %swap3A_19 = arith.constant 0 : index
    %swap3A_20 = vector.load %arg3[%swap3A_18, %swap3A_19] : memref<1000x64xf32, #tpu.memory_space<vmem>>, vector<1000x64xf32>
    tpu.vector_store %arg3[%swap3A_18, %swap3A_19], %mul3A_17 {strides = array<i32>} : memref<1000x64xf32, #tpu.memory_space<vmem>>, vector<1000x64xf32>,
    return
  }
  func.func @transform_0(%arg0: i32) -> (i32, i32) {
    %c0_i32 = arith.constant 0 : i32
    %c0_i32_0 = arith.constant 0 : i32
    return %arg0, %c0_i32 : i32, i32
  }
  func.func @transform_1(%arg0: i32) -> (i32, i32, i32) {
    %c0_i32 = arith.constant 0 : i32
    %c0_i32_0 = arith.constant 0 : i32
    %c0_i32_1 = arith.constant 0 : i32
    return %c0_i32, %arg0, %c0_i32_0 : i32, i32, i32
  }
  func.func @transform_2(%arg0: i32) -> (i32, i32) {
    %c0_i32 = arith.constant 0 : i32
    %c0_i32_0 = arith.constant 0 : i32
    return %arg0, %c0_i32 : i32, i32
  }
  func.func @transform_3(%arg0: i32) -> (i32, i32) {
    %c0_i32 = arith.constant 0 : i32
    %c0_i32_0 = arith.constant 0 : i32
    return %arg0, %c0_i32 : i32, i32
  }
}

module attributes {stable_mosaic.version = 14 : i64} {
  func.func @_mid_body(%arg0: i32, %arg1: memref<2x1000x64xf32, #tpu.memory_space<vmem>>, %arg2: memref<1000x64xf32, #tpu.memory_space<vmem>>, %arg3: memref<1000x1xf32, #tpu.memory_space<vmem>>, %arg4: memref<1x64xf32, #tpu.memory_space<vmem>>, %arg5: memref<64x64xf32, #tpu.memory_space<vmem>>, %arg6: memref<1000x64xf32, #tpu.memory_space<vmem>>) attributes {dimension_semantics = [#tpu.dimension_semantics<arbitrary>], iteration_bounds = array<i64: 10>, scalar_prefetch = 0 : i64, scratch_operands = 0 : i64, tpu.core_type = #tpu.core_type<tc>, window_params = [{transform_indices = @transform_0, window_bounds = array<i64: 2, 1000, 64>}, {transform_indices = @transform_1, window_bounds = array<i64: 1000, 64>}, {transform_indices = @transform_2, window_bounds = array<i64: 1000, 1>}, {pipeline_mode = #tpu.pipeline_mode<synchronous>, transform_indices = @transform_3, window_bounds = array<i64: 1, 64>}, {pipeline_mode = #tpu.pipeline_mode<synchronous>, transform_indices = @transform_4, window_bounds = array<i64: 64, 64>}, {transform_indices = @transform_5, window_bounds = array<i64: 1000, 64>}]} {
    %get3A = arith.constant 0 : index
    %get3A_0 = arith.constant 0 : index
    %get3A_1 = vector.load %arg3[%get3A, %get3A_0] : memref<1000x1xf32, #tpu.memory_space<vmem>>, vector<1000x1xf32>
    %get3A_2 = arith.constant 0 : index
    %get3A_3 = arith.constant 0 : index
    %get3A_4 = arith.constant 0 : index
    %get3A_5 = vector.load %arg1[%get3A_2, %get3A_3, %get3A_4] : memref<2x1000x64xf32, #tpu.memory_space<vmem>>, vector<1x1000x64xf32>
    %get3A_6 = vector.shape_cast %get3A_5 : vector<1x1000x64xf32> to vector<1000x64xf32>
    %get3A_7 = arith.constant 1 : index
    %get3A_8 = arith.constant 0 : index
    %get3A_9 = arith.constant 0 : index
    %get3A_10 = vector.load %arg1[%get3A_7, %get3A_8, %get3A_9] : memref<2x1000x64xf32, #tpu.memory_space<vmem>>, vector<1x1000x64xf32>
    %get3A_11 = vector.shape_cast %get3A_10 : vector<1x1000x64xf32> to vector<1000x64xf32>
    %add3A = arith.addf %get3A_6, %get3A_11 : vector<1000x64xf32>
    %get3A_12 = arith.constant 0 : index
    %get3A_13 = arith.constant 0 : index
    %get3A_14 = vector.load %arg2[%get3A_12, %get3A_13] : memref<1000x64xf32, #tpu.memory_space<vmem>>, vector<1000x64xf32>
    %add3A_15 = arith.addf %add3A, %get3A_14 : vector<1000x64xf32>
    %mul3A = vector.broadcast %get3A_1 : vector<1000x1xf32> to vector<1000x64xf32>
    %mul3A_16 = arith.mulf %mul3A, %add3A_15 : vector<1000x64xf32>
    %get3A_17 = arith.constant 0 : index
    %get3A_18 = arith.constant 0 : index
    %get3A_19 = vector.load %arg4[%get3A_17, %get3A_18] : memref<1x64xf32, #tpu.memory_space<vmem>>, vector<1x64xf32>
    %add3A_20 = vector.broadcast %get3A_19 : vector<1x64xf32> to vector<1000x64xf32>
    %add3A_21 = arith.addf %mul3A_16, %add3A_20 : vector<1000x64xf32>
    %max3A = arith.constant 0.000000e+00 : f32
    %max3A_22 = vector.broadcast %max3A : f32 to vector<1000x64xf32>
    %max3A_23 = arith.maximumf %add3A_21, %max3A_22 : vector<1000x64xf32>
    %get3A_24 = arith.constant 0 : index
    %get3A_25 = arith.constant 0 : index
    %get3A_26 = vector.load %arg5[%get3A_24, %get3A_25] : memref<64x64xf32, #tpu.memory_space<vmem>>, vector<64x64xf32>
    %dot_general3A = arith.constant dense<0.000000e+00> : vector<1000x64xf32>
    %dot_general3A_27 = tpu.matmul %max3A_23, %get3A_26, %dot_general3A {dimension_numbers = #tpu.dot_dimension_numbers<[1], [0], [0], [1], [0, 0, 1, 1], [], []>, transpose_lhs_hint = false} : vector<1000x64xf32>, vector<64x64xf32>, vector<1000x64xf32> -> vector<1000x64xf32>
    %mul3A_28 = vector.broadcast %get3A_1 : vector<1000x1xf32> to vector<1000x64xf32>
    %mul3A_29 = arith.mulf %mul3A_28, %dot_general3A_27 : vector<1000x64xf32>
    %swap3A = arith.constant 0 : index
    %swap3A_30 = arith.constant 0 : index
    %swap3A_31 = vector.load %arg6[%swap3A, %swap3A_30] : memref<1000x64xf32, #tpu.memory_space<vmem>>, vector<1000x64xf32>
    tpu.vector_store %arg6[%swap3A, %swap3A_30], %mul3A_29 {strides = array<i32>} : memref<1000x64xf32, #tpu.memory_space<vmem>>, vector<1000x64xf32>,
    return
  }
  func.func @transform_0(%arg0: i32) -> (i32, i32, i32) {
    %c0_i32 = arith.constant 0 : i32
    %c0_i32_0 = arith.constant 0 : i32
    %c0_i32_1 = arith.constant 0 : i32
    return %c0_i32, %arg0, %c0_i32_0 : i32, i32, i32
  }
  func.func @transform_1(%arg0: i32) -> (i32, i32) {
    %c0_i32 = arith.constant 0 : i32
    %c0_i32_0 = arith.constant 0 : i32
    return %arg0, %c0_i32 : i32, i32
  }
  func.func @transform_2(%arg0: i32) -> (i32, i32) {
    %c0_i32 = arith.constant 0 : i32
    %c0_i32_0 = arith.constant 0 : i32
    return %arg0, %c0_i32 : i32, i32
  }
  func.func @transform_3(%arg0: i32) -> (i32, i32) {
    %c0_i32 = arith.constant 0 : i32
    %c0_i32_0 = arith.constant 0 : i32
    %c0_i32_1 = arith.constant 0 : i32
    return %c0_i32, %c0_i32_0 : i32, i32
  }
  func.func @transform_4(%arg0: i32) -> (i32, i32) {
    %c0_i32 = arith.constant 0 : i32
    %c0_i32_0 = arith.constant 0 : i32
    %c0_i32_1 = arith.constant 0 : i32
    return %c0_i32, %c0_i32_0 : i32, i32
  }
  func.func @transform_5(%arg0: i32) -> (i32, i32) {
    %c0_i32 = arith.constant 0 : i32
    %c0_i32_0 = arith.constant 0 : i32
    return %arg0, %c0_i32 : i32, i32
  }
}

module attributes {stable_mosaic.version = 14 : i64} {
  func.func @_out_body(%arg0: i32, %arg1: memref<2x1000x64xf32, #tpu.memory_space<vmem>>, %arg2: memref<1000x64xf32, #tpu.memory_space<vmem>>, %arg3: memref<1000x1xf32, #tpu.memory_space<vmem>>, %arg4: memref<1x64xf32, #tpu.memory_space<vmem>>, %arg5: memref<64x1xf32, #tpu.memory_space<vmem>>, %arg6: memref<1x1xf32, #tpu.memory_space<vmem>>, %arg7: memref<1000x1xf32, #tpu.memory_space<vmem>>) attributes {dimension_semantics = [#tpu.dimension_semantics<arbitrary>], iteration_bounds = array<i64: 10>, scalar_prefetch = 0 : i64, scratch_operands = 0 : i64, tpu.core_type = #tpu.core_type<tc>, window_params = [{transform_indices = @transform_0, window_bounds = array<i64: 2, 1000, 64>}, {transform_indices = @transform_1, window_bounds = array<i64: 1000, 64>}, {transform_indices = @transform_2, window_bounds = array<i64: 1000, 1>}, {pipeline_mode = #tpu.pipeline_mode<synchronous>, transform_indices = @transform_3, window_bounds = array<i64: 1, 64>}, {pipeline_mode = #tpu.pipeline_mode<synchronous>, transform_indices = @transform_4, window_bounds = array<i64: 64, 1>}, {pipeline_mode = #tpu.pipeline_mode<synchronous>, transform_indices = @transform_5, window_bounds = array<i64: 1, 1>}, {transform_indices = @transform_6, window_bounds = array<i64: 1000, 1>}]} {
    %get3A = arith.constant 0 : index
    %get3A_0 = arith.constant 0 : index
    %get3A_1 = vector.load %arg3[%get3A, %get3A_0] : memref<1000x1xf32, #tpu.memory_space<vmem>>, vector<1000x1xf32>
    %get3A_2 = arith.constant 0 : index
    %get3A_3 = arith.constant 0 : index
    %get3A_4 = arith.constant 0 : index
    %get3A_5 = vector.load %arg1[%get3A_2, %get3A_3, %get3A_4] : memref<2x1000x64xf32, #tpu.memory_space<vmem>>, vector<1x1000x64xf32>
    %get3A_6 = vector.shape_cast %get3A_5 : vector<1x1000x64xf32> to vector<1000x64xf32>
    %get3A_7 = arith.constant 1 : index
    %get3A_8 = arith.constant 0 : index
    %get3A_9 = arith.constant 0 : index
    %get3A_10 = vector.load %arg1[%get3A_7, %get3A_8, %get3A_9] : memref<2x1000x64xf32, #tpu.memory_space<vmem>>, vector<1x1000x64xf32>
    %get3A_11 = vector.shape_cast %get3A_10 : vector<1x1000x64xf32> to vector<1000x64xf32>
    %add3A = arith.addf %get3A_6, %get3A_11 : vector<1000x64xf32>
    %get3A_12 = arith.constant 0 : index
    %get3A_13 = arith.constant 0 : index
    %get3A_14 = vector.load %arg2[%get3A_12, %get3A_13] : memref<1000x64xf32, #tpu.memory_space<vmem>>, vector<1000x64xf32>
    %add3A_15 = arith.addf %add3A, %get3A_14 : vector<1000x64xf32>
    %mul3A = vector.broadcast %get3A_1 : vector<1000x1xf32> to vector<1000x64xf32>
    %mul3A_16 = arith.mulf %mul3A, %add3A_15 : vector<1000x64xf32>
    %get3A_17 = arith.constant 0 : index
    %get3A_18 = arith.constant 0 : index
    %get3A_19 = vector.load %arg4[%get3A_17, %get3A_18] : memref<1x64xf32, #tpu.memory_space<vmem>>, vector<1x64xf32>
    %add3A_20 = vector.broadcast %get3A_19 : vector<1x64xf32> to vector<1000x64xf32>
    %add3A_21 = arith.addf %mul3A_16, %add3A_20 : vector<1000x64xf32>
    %max3A = arith.constant 0.000000e+00 : f32
    %max3A_22 = vector.broadcast %max3A : f32 to vector<1000x64xf32>
    %max3A_23 = arith.maximumf %add3A_21, %max3A_22 : vector<1000x64xf32>
    %get3A_24 = arith.constant 0 : index
    %get3A_25 = arith.constant 0 : index
    %get3A_26 = vector.load %arg5[%get3A_24, %get3A_25] : memref<64x1xf32, #tpu.memory_space<vmem>>, vector<64x1xf32>
    %dot_general3A = arith.constant dense<0.000000e+00> : vector<1000x1xf32>
    %dot_general3A_27 = tpu.matmul %max3A_23, %get3A_26, %dot_general3A {dimension_numbers = #tpu.dot_dimension_numbers<[1], [0], [0], [1], [0, 0, 1, 1], [], []>, transpose_lhs_hint = false} : vector<1000x64xf32>, vector<64x1xf32>, vector<1000x1xf32> -> vector<1000x1xf32>
    %get3A_28 = arith.constant 0 : index
    %get3A_29 = arith.constant 0 : index
    %get3A_30 = vector.load %arg6[%get3A_28, %get3A_29] : memref<1x1xf32, #tpu.memory_space<vmem>>, vector<1x1xf32>
    %add3A_31 = vector.broadcast %get3A_30 : vector<1x1xf32> to vector<1000x1xf32>
    %add3A_32 = arith.addf %dot_general3A_27, %add3A_31 : vector<1000x1xf32>
    %swap3A = arith.constant 0 : index
    %swap3A_33 = arith.constant 0 : index
    %swap3A_34 = vector.load %arg7[%swap3A, %swap3A_33] : memref<1000x1xf32, #tpu.memory_space<vmem>>, vector<1000x1xf32>
    tpu.vector_store %arg7[%swap3A, %swap3A_33], %add3A_32 {strides = array<i32>} : memref<1000x1xf32, #tpu.memory_space<vmem>>, vector<1000x1xf32>,
    return
  }
  func.func @transform_0(%arg0: i32) -> (i32, i32, i32) {
    %c0_i32 = arith.constant 0 : i32
    %c0_i32_0 = arith.constant 0 : i32
    %c0_i32_1 = arith.constant 0 : i32
    return %c0_i32, %arg0, %c0_i32_0 : i32, i32, i32
  }
  func.func @transform_1(%arg0: i32) -> (i32, i32) {
    %c0_i32 = arith.constant 0 : i32
    %c0_i32_0 = arith.constant 0 : i32
    return %arg0, %c0_i32 : i32, i32
  }
  func.func @transform_2(%arg0: i32) -> (i32, i32) {
    %c0_i32 = arith.constant 0 : i32
    %c0_i32_0 = arith.constant 0 : i32
    return %arg0, %c0_i32 : i32, i32
  }
  func.func @transform_3(%arg0: i32) -> (i32, i32) {
    %c0_i32 = arith.constant 0 : i32
    %c0_i32_0 = arith.constant 0 : i32
    %c0_i32_1 = arith.constant 0 : i32
    return %c0_i32, %c0_i32_0 : i32, i32
  }
  func.func @transform_4(%arg0: i32) -> (i32, i32) {
    %c0_i32 = arith.constant 0 : i32
    %c0_i32_0 = arith.constant 0 : i32
    %c0_i32_1 = arith.constant 0 : i32
    return %c0_i32, %c0_i32_0 : i32, i32
  }
  func.func @transform_5(%arg0: i32) -> (i32, i32) {
    %c0_i32 = arith.constant 0 : i32
    %c0_i32_0 = arith.constant 0 : i32
    %c0_i32_1 = arith.constant 0 : i32
    return %c0_i32, %c0_i32_0 : i32, i32
  }
  func.func @transform_6(%arg0: i32) -> (i32, i32) {
    %c0_i32 = arith.constant 0 : i32
    %c0_i32_0 = arith.constant 0 : i32
    return %arg0, %c0_i32 : i32, i32
  }
}

</mosaic_0001>

<sc_bundles>
// kernel: kernel.12.cloned.1.call-start
scs
__scs_entry_jumppad:
0x0: {  	(pc) =	sbr.rel $0x88, $3  }
0x1: {  	(tag) =	ssettag $0x0;
	lr =	simm.s32 $0x1  }
0x2: {  	[smem:$0x3F99] =	sst lr;
	_ =	strace $0xD0000000  }
0x3: {  	_ = 	snop  }
0x4: {  	_ = 	snop  }
0x5: {  	_ = 	snop  }
0x6: {  	_ = 	snop  }
0x7: {  	_ = 	snop  }
__scs_overlays_trampoline_lowered:
0x8: {  	[smem:$0x3FA8] =	sst s0  }
0x9: {  	[smem:$0x3FA9] =	sst s1  }
0xa: {  	[smem:$0x3FAA] =	sst s2  }
0xb: {  	[smem:$0x3FAB] =	sst s3  }
0xc: {  	[smem:$0x3FAC] =	sst s4  }
0xd: {  	[smem:$0x3FAD] =	sst s5  }
0xe: {  	[smem:$0x3FAE] =	sst s6  }
0xf: {  	[smem:$0x3FAF] =	sst s7  }
0x10: {  	[smem:$0x3FB0] =	sst s8  }
0x11: {  	[smem:$0x3FB1] =	sst s9;
	s0 =	simm.s32 @!p0 $0x0  }
0x12: {  	s1 =	sld [smem:$0x3F97];
	s0 =	simm.s32 @p0 $0x1  }
0x13: {  	[smem:$0x3FB2] =	sst s0;
	s0 =	simm.s32 @!p1 $0x0  }
0x14: {  	s2 =	sld [smem:$0x3F96];
	s0 =	simm.s32 @p1 $0x1  }
0x15: {  	[smem:$0x3FB3] =	sst s0;
	s0 =	simm.s32 @!p2 $0x0  }
0x16: {  	s3 =	sld [smem:$0x3FDB];
	s0 =	simm.s32 @p2 $0x1  }
0x17: {  	s4 =	simm.s32 $0x1BF5;
	[smem:$0x3FB5] =	sst s0  }
0x18: {  	s0 =	sld [smem:$0x3F98];
	_ =	swait.ge [sflag:s4], $0x0  }
0x19: {  	s7 =	sld [smem:$0x3F99]  }
0x1a: {  	s8 =	sadd.s32 $0xFFFFE003, lr  }
0x1b: {  	s9 =	sadd.s32 $0xFFFFFEF7, lr;
	s5 =	simm.s32 $0xFFFFFFFF;
	p2 =	slt.u32 s8, $0xFFFFF086  }
0x1c: {  	p1 =	slt.u32 s9, $0xF7A;
	s5 =	simm.s32 @!p2 $0x0  }
0x1d: {  	s5 =	simm.s32 @p1 $0x1;
	p0 =	seq.s32 s7, s2  }
0x1e: {  	s7 =	smul.u32 @!p0 $0xF7A, s2;
	p2 =	seq.s32 @!p0 s5, $0x0  }
0x1f: {  	s9 =	smul.u32 $0xF7A, s1;
	s8 =	simm.s32 @!p0 $0x1BF5;
	p2 =	por !p2, p0  }
0x20: {  	[sflag:s8] =	ssyncset.s32 @!p0 $0xFFFFF086;
	s6 =	sadd.s32 @!p0 s3, s7;
	s7 =	simm.s32 @!p0 $0x108  }
0x21: {  	s3 =	sadd.s32 s3, s9;
	s6 =	sadd.s32 @!p0 $0x88, s6;
	s7 =	simm.s32 @p2 $0x1082  }
0x22: {  	[simem:s7], [sflag:s8] =	dma.local @!p0 [hbm:s6], $0xF7A  }
0x23: {  	s9 =	sor.u32 $0xD0000000, s2;
	s6 =	simm.s32 $0x108;
	_ =	swait.ge @!p0 [sflag:s8], $0x0  }
0x24: {  	s3 =	sadd.s32 $0x88, s3;
	s6 =	simm.s32 @!p1 $0x1082;
	[sflag:s4] =	ssyncset.s32 $0xFFFFF086  }
0x25: {  	[simem:s6], [sflag:s4] =	dma.local [hbm:s3], $0xF7A  }
0x26: {  	[smem:$0x3F99] =	sst s1;
	(tag) =	ssettag s2;
	_ =	strace s9  }
0x27: {  	s1 =	sld [smem:$0x3FA9]  }
0x28: {  	s2 =	sld [smem:$0x3FAA]  }
0x29: {  	s4 =	sld [smem:$0x3FAC]  }
0x2a: {  	p0 =	seq.s32 s5, $0x0;
	s5 =	sld [smem:$0x3FAD]  }
0x2b: {  	s6 =	sld [smem:$0x3FAE]  }
0x2c: {  	s7 =	sld [smem:$0x3FAF]  }
0x2d: {  	s3 =	simm.s32 $0x108;
	s8 =	sld [smem:$0x3FB0]  }
0x2e: {  	s3 =	simm.s32 @!p0 $0x1082;
	s9 =	sld [smem:$0x3FB1]  }
0x2f: {  	lr =	sadd.s32 s0, s3;
	s0 =	sld [smem:$0x3FA8]  }
0x30: {  	s3 =	sld [smem:$0x3FAB]  }
0x31: {  	[smem:$0x3FB4] =	sst s10  }
0x32: {  	s10 =	sld [smem:$0x3FB2];
	_ =	sdelay $0x3  }
0x33: {  	p0 =	seq.s32 s10, $0x1;
	s10 =	sld [smem:$0x3FB4];
	_ =	sdelay $0x3  }
0x34: {  	[smem:$0x3FB4] =	sst s10  }
0x35: {  	s10 =	sld [smem:$0x3FB3];
	_ =	sdelay $0x3  }
0x36: {  	p1 =	seq.s32 s10, $0x1;
	s10 =	sld [smem:$0x3FB4];
	_ =	sdelay $0x3  }
0x37: {  	[smem:$0x3FB4] =	sst s10  }
0x38: {  	s10 =	sld [smem:$0x3FB5]  }
0x39: {  	_ = 	snop;
	(pc) =	sbr.ind lr, $3  }
0x3a: {  	_ = 	snop  }
0x3b: {  	_ = 	snop  }
0x3c: {  	p2 =	seq.s32 s10, $0x1;
	s10 =	sld [smem:$0x3FB4]  }
0x3d: {  	_ =	shalt  }
0x3e: {  	_ =	shalt  }
0x3f: {  	_ =	shalt  }
0x40: {  	_ =	shalt  }
0x41: {  	_ =	shalt  }
0x42: {  	_ =	shalt  }
0x43: {  	_ =	shalt  }
0x44: {  	_ =	shalt  }
0x45: {  	_ =	shalt  }
0x46: {  	_ =	shalt  }
0x47: {  	_ =	shalt  }
0x48: {  	_ =	shalt  }
0x49: {  	_ =	shalt  }
0x4a: {  	_ =	shalt  }
0x4b: {  	_ =	shalt  }
0x4c: {  	_ =	shalt  }
0x4d: {  	_ =	shalt  }
0x4e: {  	_ =	shalt  }
0x4f: {  	_ =	shalt  }
0x50: {  	_ =	shalt  }
0x51: {  	_ =	shalt  }
0x52: {  	_ =	shalt  }
0x53: {  	_ =	shalt  }
0x54: {  	_ =	shalt  }
0x55: {  	_ =	shalt  }
0x56: {  	_ =	shalt  }
0x57: {  	_ =	shalt  }
0x58: {  	_ =	shalt  }
0x59: {  	_ =	shalt  }
0x5a: {  	_ =	shalt  }
0x5b: {  	_ =	shalt  }
0x5c: {  	_ =	shalt  }
0x5d: {  	_ =	shalt  }
0x5e: {  	_ =	shalt  }
0x5f: {  	_ =	shalt  }
0x60: {  	_ =	shalt  }
0x61: {  	_ =	shalt  }
0x62: {  	_ =	shalt  }
0x63: {  	_ =	shalt  }
0x64: {  	_ =	shalt  }
0x65: {  	_ =	shalt  }
0x66: {  	_ =	shalt  }
0x67: {  	_ =	shalt  }
0x68: {  	_ =	shalt  }
0x69: {  	_ =	shalt  }
0x6a: {  	_ =	shalt  }
0x6b: {  	_ =	shalt  }
0x6c: {  	_ =	shalt  }
0x6d: {  	_ =	shalt  }
0x6e: {  	_ =	shalt  }
0x6f: {  	_ =	shalt  }
0x70: {  	_ =	shalt  }
0x71: {  	_ =	shalt  }
0x72: {  	_ =	shalt  }
0x73: {  	_ =	shalt  }
0x74: {  	_ =	shalt  }
0x75: {  	_ =	shalt  }
0x76: {  	_ =	shalt  }
0x77: {  	_ =	shalt  }
0x78: {  	_ =	shalt  }
0x79: {  	_ =	shalt  }
0x7a: {  	_ =	shalt  }
0x7b: {  	_ =	shalt  }
0x7c: {  	_ =	shalt  }
0x7d: {  	_ =	shalt  }
0x7e: {  	_ =	shalt  }
0x7f: {  	_ =	shalt  }
0x80: {  	_ =	shalt  }
0x81: {  	_ =	shalt  }
0x82: {  	_ =	shalt  }
0x83: {  	_ =	shalt  }
0x84: {  	_ =	shalt  }
0x85: {  	_ =	shalt  }
0x86: {  	_ =	shalt  }
0x87: {  	_ =	shalt  }
.Lfunc_end0:
.L_simem_size_0:
called_computation.1_lowered:
.L_overlay_start_0:
0x88: {  	s2 =	sld [smem:$0x3FD9]  }
0x89: {  	s3 =	sld [smem:$0x3FFE];
	_ =	sdelay $0x1  }
0x8a: {  	s1 =	srdreg.scid  }
0x8b: {  	s0 =	sand.u32 $0x1, s1  }
0x8c: {  	s16 =	sshll.u32 s0, $0xA;
	s2 =	sadd.s32 s3, s2  }
0x8d: {  	s2 =	sadd.s32 s2, s16  }
0x8e: {  	[smem:$0x3FC0] =	sst s2  }
0x8f: {  	_ = 	snop  }
0x90: {  	(tm) =	ssettm $0x1  }
0x91: {  	s17 =	sld [smem:$0x3FFB];
	_ =	sdelay $0x3  }
0x92: {  	_ =	strace s17  }
0x93: {  	s2 =	sld [smem:$0x3FFC];
	_ =	sdelay $0x3  }
0x94: {  	_ =	strace s2  }
0x95: {  	s2 =	sld [smem:$0x3FFD];
	_ =	sdelay $0x3  }
0x96: {  	_ =	strace s2  }
0x97: {  	_ =	strace $0x8FFFFFFF  }
0x98: {  	s18 =	sld [smem:$0x3FDB];
	_ =	sdelay $0x1  }
0x99: {  	s19 =	simm.s32 $_scs_section_size  }
0x9a: {  	s4 =	simm.s32 $_size__tile_overlayer_lowered;
	s5 =	simm.s32 $_tile_overlayer_lowered  }
0x9b: {  	s22 =	simm.s32 $0x1BFF;
	s21 =	sshll.u32 s5, $0x1;
	s2 =	sadd.s32 s19, s18  }
0x9c: {  	s6 =	simm.s32 $0x0;
	s20 =	sshll.u32 s4, $0x1;
	s4 =	sadd.s32 s21, s2  }
0x9d: {  	[timem:s6], [sflag:s22] =	dma.local [hbm:s4], s20  }
0x9e: {  	_ =	swait.ge [sflag:s22], s20  }
0x9f: {  	s3 =	ssub.s32 $0x0, s20;
	[sflag:s22] =	ssyncset.done $0x0  }
0xa0: {  	[sflag:s22] =	ssyncadd.s32 s3;
	_ =	sdelay $0x1  }
0xa1: {  	s23 =	simm.s32 $0x1B8B  }
0xa2: {  	_ =	swait.ge [sflag:s23], $0x1  }
0xa3: {  	[sflag:s23] =	ssyncset.done $0x0  }
0xa4: {  	s25 =	simm.s32 $0x1B8E;
	s24 =	sld [smem:$0x3FFE];
	[sflag:s23] =	ssyncadd.s32 $0xFFFFFFFF  }
0xa5: {  	s26 =	simm.s32 $execute0_lowered;
	[smem:$0x3FD2] =	sst s25  }
0xa6: {  	s4 =	sshll.u32 s26, $0x1;
	_ =	strace $0x80000049;
	[dreg:$0x1] =	wrdreg $0xFFFFFFFF  }
0xa7: {  	s28 =	simm.s32 $_size_execute0_lowered;
	s2 =	sadd.s32 s2, s4;
	[dreg:$0x0] =	wrdreg $0x0  }
0xa8: {  	s4 =	sshll.u32 s28, $0x1;
	[dreg:$0x2] =	wrdreg s2  }
0xa9: {  	[dreg:$0x3] =	wrdreg s4  }
0xaa: {  	[dreg:$0x4] =	wrdreg $0xC0  }
0xab: {  	_ =	task [dreg:s6], $0x5FFFF  }
0xac: {  	[dreg:$0x1] =	wrdreg $0xFFFFFFFF  }
0xad: {  	[dreg:$0x0] =	wrdreg $0x60  }
0xae: {  	[dreg:$0x2] =	wrdreg s24  }
0xaf: {  	[dreg:$0x3] =	wrdreg $0x90000  }
0xb0: {  	[dreg:$0x4] =	wrdreg $0x9  }
0xb1: {  	_ =	task.clear_ibuf [dreg:s6], $0x5FFFF;
	_ =	strace $0x90000049  }
0xb2: {  	s29 =	simm.s32 $0x9;
	_ =	strace $0x8000004B  }
0xb3: {  	_ =	swait.ge [sflag:s29], $0x1  }
0xb4: {  	[sflag:s29] =	ssyncadd.s32 $0xFFFFFFFF  }
0xb5: {  	_ =	strace $0x9000004B  }
0xb6: {  	_ =	sfence  }
0xb7: {  	s30 =	sld [smem:$0x0];
	_ =	sdelay $0x2  }
0xb8: {  	s31 =	sshll.u32 s1, $0xD;
	s1 =	sshrl.u32 s1, $0x2  }
0xb9: {  	s3 =	sand.u32 $0x4000, s31;
	s1 =	sadd.s32 s1, s30  }
0xba: {  	s0 =	sor.u32 s3, s0;
	s1 =	sshll.u32 s1, $0x11  }
0xbb: {  	s0 =	sor.u32 s1, s0  }
0xbc: {  	s0 =	sadd.s32 $0x8F2B, s0  }
0xbd: {  	[sflag:s0] =	ssyncadd.remote.s32 $0x1  }
0xbe: {  	_ =	sfence.sel $0xFFFF  }
0xbf: {  	[dreg:$0x0] =	wrdreg $0xFFFFFFFF;
	(pc) =	sbr.abs _section_cstart, $3  }
0xc0: {  	[dreg:$0x1] =	wrdreg $0xFFFFFFFF  }
0xc1: {  	_ =	task.clear_ibuf [dreg:s6], $0x2FFFF;
	_ =	strace $0x9FFFFFFF  }
0xc2: {  	(tm) =	ssettm $0x7FFFFFFF  }
0xc3: {  	_ =	shalt  }
tec
execute0_lowered:
.L_overlay_start_1:
0x0: {  	(tag) =	ssettag $0x1  }
0x1: {  	s1 =	srdreg.scid;
	s6 =	rddreg [dreg:$0x0]  }
0x2: {  	s0 =	stileid.u32;
	s2 =	rddreg [dreg:$0x1];
	s3 =	simm.s32 $0x0  }
0x3: {  	s14 =	simm.s32 $0x80;
	s15 =	simm.s32 $0x5000;
	s16 =	simm.s32 $0x7000  }
0x4: {  	s17 =	simm.s32 $0x1;
	s18 =	simm.s32 $0x3;
	s19 =	simm.s32 $0x2  }
0x5: {  	s20 =	simm.s32 $0x4;
	s21 =	simm.s32 $0x4F80;
	s22 =	simm.s32 $0x0  }
0x6: {  	s5 =	sand.u32 $0x1, s1;
	s26 =	sshll.u32 s0, $0x1;
	s8 =	smul.u32 $0x9E00, s0  }
0x7: {  	[smem:$0x7FF] =	sst s3;
	s4 =	sadd.s32 $0x24E00, s6;
	s31 =	sshll.u32 s0, $0x6  }
0x8: {  	s1 =	sor.u32 s5, s26;
	s9 =	smul.u32 $0x9E000, s5;
	s5 =	ssub.s32 $0x2, s5  }
0x9: {  	s7 =	smul.u32 $0x500, s1;
	s1 =	rddreg [dreg:$0x2];
	_ =	strace $0x8000004A  }
0xa: {  	s29 =	sshrl.u32 s8, $0x3;
	s30 =	sshrl.u32 s5, $0x1;
	s13 =	sadd.s32 s8, s2  }
0xb: {  	s28 =	sadd.s32 s8, s9;
	s9 =	sadd.s32 s29, s6;
	s12 =	ssub.s32 s5, s30  }
0xc: {  	s10 =	sadd.s32 s7, s6;
	s7 =	sshrl.u32 s28, $0x3;
	s5 =	sadd.s32 $0x38800, s9  }
0xd: {  	s11 =	sadd.s32 s7, s6;
	s6 =	sor.u32 $0x1C05, s31;
	s7 =	sadd.s32 $0x1AA00, s10  }
0xe: {  	s8 =	sadd.s32 $0x1800, s10;
	s10 =	smax.u32 s12, $0x1;
	s12 =	simm.s32 $0x5  }
0xf: {  	s9 =	sadd.s32 $0x4C400, s11;
	s11 =	sshrl.u32 s13, $0x3;
	s13 =	simm.s32 $0x2800  }
.LBB2_1:
0x10: {  	[spmem:s11], [sflag:s6] =	dma.local [hbm:s5], $0x13C0  }
0x11: {  	_ =	swait.ge [sflag:s12], $0x13C0  }
0x12: {  	[sflag:s12] =	ssyncset.done $0x0  }
0x13: {  	[sflag:s12] =	ssyncadd.s32 $0xFFFFEC40  }
0x14: {  	[tilespmem:s3], [sflag:$0x5] =	stream.linear.gather [hbm4b:s7+s3], $0x2800, $0x38;
	[tilespmem:$0x12E00] =	vst v63  }
0x15: {  	_ =	swait.ge [sflag:s12], $0x2800  }
0x16: {  	[sflag:s12] =	ssyncset.done $0x0  }
0x17: {  	[sflag:s12] =	ssyncadd.s32 $0xFFFFD800  }
0x18: {  	[tilespmem:s13], [sflag:$0x5] =	stream.linear.gather [hbm4b:s8+s3], $0x2800, $0x38;
	[tilespmem:$0x12E00] =	vst v63  }
0x19: {  	_ =	swait.ge [sflag:s12], $0x2800  }
0x1a: {  	[sflag:s12] =	ssyncset.done $0x0  }
0x1b: {  	[sflag:s12] =	ssyncadd.s32 $0xFFFFD800  }
0x1c: {  	[bflag:$0x0] =	sbarrier.arrive $0xFFFF  }
0x1d: {  	[tilespmem:s15], [sflag:$0x1] =	stream.indirect.gather [hbm4b:s4+s14], $0x40, s3, s14, $0xb8;
	[tilespmem:$0x12E00] =	vst v63  }
0x1e: {  	_ = 	snop  }
0x1f: {  	[tilespmem:s16], [sflag:$0x2] =	stream.indirect.gather [hbm4b:s4+s14], $0x40, s14, s14, $0xb8;
	[tilespmem:$0x12E00] =	vst v63  }
0x20: {  	_ =	swait.ge [sflag:s17], $0x2000  }
0x21: {  	[sflag:s17] =	ssyncset.done $0x0  }
0x22: {  	[sflag:s17] =	ssyncadd.s32 $0xFFFFE000  }
0x23: {  	[spmem:s2] =	stream.indirect.scatter.add.f32 [tilespmem:s15], [sflag:$0x3], $0x40, s13, s14, $0xb8;
	[tilespmem:$0x12E00] =	vst v63  }
0x24: {  	_ =	swait.ge [sflag:s18], $0x2000  }
0x25: {  	[sflag:s18] =	ssyncset.done $0x0  }
0x26: {  	s23 =	simm.s32 $0x100;
	[sflag:s18] =	ssyncadd.s32 $0xFFFFE000  }
0x27: {  	[tilespmem:s15], [sflag:$0x1] =	stream.indirect.gather [hbm4b:s4+s14], $0x40, s23, s14, $0xb8;
	[tilespmem:$0x12E00] =	vst v63  }
0x28: {  	_ =	swait.ge [sflag:s19], $0x2000  }
0x29: {  	[sflag:s19] =	ssyncset.done $0x0  }
0x2a: {  	s30 =	simm.s32 $0x2880;
	[sflag:s19] =	ssyncadd.s32 $0xFFFFE000  }
0x2b: {  	[spmem:s2] =	stream.indirect.scatter.add.f32 [tilespmem:s16], [sflag:$0x4], $0x40, s30, s14, $0xb8;
	[tilespmem:$0x12E00] =	vst v63  }
0x2c: {  	_ =	swait.ge [sflag:s20], $0x2000  }
0x2d: {  	[sflag:s20] =	ssyncset.done $0x0  }
0x2e: {  	s31 =	simm.s32 $0x180;
	[sflag:s20] =	ssyncadd.s32 $0xFFFFE000  }
0x2f: {  	[tilespmem:s16], [sflag:$0x2] =	stream.indirect.gather [hbm4b:s4+s14], $0x40, s31, s14, $0xb8;
	[tilespmem:$0x12E00] =	vst v63  }
0x30: {  	_ =	swait.ge [sflag:s17], $0x2000  }
0x31: {  	[sflag:s17] =	ssyncset.done $0x0  }
0x32: {  	s24 =	simm.s32 $0x2900;
	s23 =	simm.s32 $0xFFFF6800;
	[sflag:s17] =	ssyncadd.s32 $0xFFFFE000  }
.LBB2_2:
0x33: {  	[spmem:s2] =	stream.indirect.scatter.add.f32 [tilespmem:s15], [sflag:$0x3], $0x40, s24, s14, $0xb8;
	[tilespmem:$0x12E00] =	vst v63  }
0x34: {  	s24 =	smov.u32 s23  }
0x35: {  	p0 =	sne.s32 s23, $0xFFFFFC00;
	s23 =	sadd.s32 $0x400, s23;
	_ =	swait.ge [sflag:s18], $0x2000  }
0x36: {  	s24 =	sshra.s32 s24, $0x2;
	[sflag:s18] =	ssyncset.done $0x0  }
0x37: {  	s25 =	sadd.s32 $0x2800, s24;
	[sflag:s18] =	ssyncadd.s32 $0xFFFFE000  }
0x38: {  	[tilespmem:s15], [sflag:$0x1] =	stream.indirect.gather [hbm4b:s4+s14], $0x40, s25, s14, $0xb8;
	[tilespmem:$0x12E00] =	vst v63  }
0x39: {  	_ =	swait.ge [sflag:s19], $0x2000  }
0x3a: {  	[sflag:s19] =	ssyncset.done $0x0  }
0x3b: {  	s25 =	sadd.s32 $0x4F80, s24;
	[sflag:s19] =	ssyncadd.s32 $0xFFFFE000  }
0x3c: {  	[spmem:s2] =	stream.indirect.scatter.add.f32 [tilespmem:s16], [sflag:$0x4], $0x40, s25, s14, $0xb8;
	[tilespmem:$0x12E00] =	vst v63  }
0x3d: {  	_ =	swait.ge [sflag:s20], $0x2000  }
0x3e: {  	[sflag:s20] =	ssyncset.done $0x0  }
.Ltmp0:
0x3f: {  	s25 =	sadd.s32 $0x2880, s24;
	[sflag:s20] =	ssyncadd.s32 $0xFFFFE000;
	(pc) =	sbr.rel @p0 .LBB2_2-.Ltmp0, $4  }
0x40: {  	[tilespmem:s16], [sflag:$0x2] =	stream.indirect.gather [hbm4b:s4+s14], $0x40, s25, s14, $0xb8;
	[tilespmem:$0x12E00] =	vst v63  }
0x41: {  	_ =	swait.ge [sflag:s17], $0x2000  }
0x42: {  	[sflag:s17] =	ssyncset.done $0x0  }
0x43: {  	s24 =	sadd.s32 $0x5000, s24;
	[sflag:s17] =	ssyncadd.s32 $0xFFFFE000  }
0x44: {  	[spmem:s2] =	stream.indirect.scatter.add.f32 [tilespmem:s15], [sflag:$0x3], $0x40, s24, s14, $0xb8;
	[tilespmem:$0x12E00] =	vst v63  }
0x45: {  	_ =	swait.ge [sflag:s18], $0x2000  }
0x46: {  	[sflag:s18] =	ssyncset.done $0x0  }
0x47: {  	[sflag:s18] =	ssyncadd.s32 $0xFFFFE000  }
0x48: {  	_ =	swait.ge [sflag:s19], $0x2000  }
0x49: {  	[sflag:s19] =	ssyncset.done $0x0  }
0x4a: {  	[sflag:s19] =	ssyncadd.s32 $0xFFFFE000  }
0x4b: {  	[spmem:s2] =	stream.indirect.scatter.add.f32 [tilespmem:s16], [sflag:$0x4], $0x40, s21, s14, $0xb8;
	[tilespmem:$0x12E00] =	vst v63  }
0x4c: {  	_ =	swait.ge [sflag:s20], $0x2000  }
0x4d: {  	s22 =	sadd.s32 $0x1, s22;
	[sflag:s20] =	ssyncset.done $0x0  }
0x4e: {  	p0 =	sne.s32 s22, s10;
	[sflag:s20] =	ssyncadd.s32 $0xFFFFE000  }
.Ltmp1:
0x4f: {  	[bflag:$0x0] =	sbarrier.arrive $0xFFFF;
	(pc) =	sbr.rel @p0 .LBB2_1-.Ltmp1, $4  }
0x50: {  	[hbm:s9], [sflag:s6] =	dma.local [spmem:s11], $0x13C0  }
0x51: {  	_ =	swait.ge [sflag:s12], $0x13C0  }
0x52: {  	[sflag:s12] =	ssyncset.done $0x0  }
0x53: {  	[sflag:s12] =	ssyncadd.s32 $0xFFFFEC40  }
0x54: {  	_ =	sfence.sel $0x180000  }
0x55: {  	[bflag:$0x0] =	sbarrier.arrive $0xFFFF  }
0x56: {  	p0 =	sne.s32 s0, $0x0;
	_ =	strace $0x9000004A  }
0x57: {  	s0 =	sadd.s32 @!p0 $0x100000, s1;
	[bflag:$0x2] =	sbarrier.arrive $0xFFFF  }
0x58: {  	[sflag:s0] =	ssyncadd.tile.s32 @!p0 $0x1;
	_ =	shalt  }
.Lfunc_end2:
_tile_overlayer_lowered:
.L_overlay_start_2:
0x59: {  	(tag) =	ssettag $0x2  }
0x5a: {  	s0 =	rddreg [dreg:$0x0];
	s2 =	stileid.u32  }
0x5b: {  	s1 =	rddreg [dreg:$0x1];
	p0 =	sne.s32 s2, $0x0  }
0x5c: {  	s3 =	rddreg [dreg:$0x2];
	[bflag:$0x3] =	sbarrier.arrive $0xFFFF;
	s2 =	simm.s32 @!p0 $0x1C05  }
0x5d: {  	[timem:s3], [sflag:s2] =	dma.local @!p0 [hbm:s0], s1  }
0x5e: {  	s0 =	simm.s32 @!p0 $0x5  }
0x5f: {  	_ =	swait.ge @!p0 [sflag:s0], s1  }
0x60: {  	s1 =	ssub.s32 @!p0 $0x0, s1;
	[sflag:s0] =	ssyncset.done @!p0 $0x0  }
0x61: {  	[sflag:s0] =	ssyncadd.s32 @!p0 s1  }
0x62: {  	[bflag:$0x3] =	sbarrier.arrive $0xFFFF  }
0x63: {  	_ =	shalt  }

// kernel: kernel.15.cloned.1.call-start
scs
__scs_entry_jumppad:
0x0: {  	(pc) =	sbr.rel $0x88, $3  }
0x1: {  	(tag) =	ssettag $0x0;
	lr =	simm.s32 $0x1  }
0x2: {  	[smem:$0x3F99] =	sst lr;
	_ =	strace $0xD0000000  }
0x3: {  	_ = 	snop  }
0x4: {  	_ = 	snop  }
0x5: {  	_ = 	snop  }
0x6: {  	_ = 	snop  }
0x7: {  	_ = 	snop  }
__scs_overlays_trampoline_lowered:
0x8: {  	[smem:$0x3FA8] =	sst s0  }
0x9: {  	[smem:$0x3FA9] =	sst s1  }
0xa: {  	[smem:$0x3FAA] =	sst s2  }
0xb: {  	[smem:$0x3FAB] =	sst s3  }
0xc: {  	[smem:$0x3FAC] =	sst s4  }
0xd: {  	[smem:$0x3FAD] =	sst s5  }
0xe: {  	[smem:$0x3FAE] =	sst s6  }
0xf: {  	[smem:$0x3FAF] =	sst s7  }
0x10: {  	[smem:$0x3FB0] =	sst s8  }
0x11: {  	[smem:$0x3FB1] =	sst s9;
	s0 =	simm.s32 @!p0 $0x0  }
0x12: {  	s1 =	sld [smem:$0x3F97];
	s0 =	simm.s32 @p0 $0x1  }
0x13: {  	[smem:$0x3FB2] =	sst s0;
	s0 =	simm.s32 @!p1 $0x0  }
0x14: {  	s2 =	sld [smem:$0x3F96];
	s0 =	simm.s32 @p1 $0x1  }
0x15: {  	[smem:$0x3FB3] =	sst s0;
	s0 =	simm.s32 @!p2 $0x0  }
0x16: {  	s3 =	sld [smem:$0x3FDB];
	s0 =	simm.s32 @p2 $0x1  }
0x17: {  	s4 =	simm.s32 $0x1BF5;
	[smem:$0x3FB5] =	sst s0  }
0x18: {  	s0 =	sld [smem:$0x3F98];
	_ =	swait.ge [sflag:s4], $0x0  }
0x19: {  	s7 =	sld [smem:$0x3F99]  }
0x1a: {  	s8 =	sadd.s32 $0xFFFFE003, lr  }
0x1b: {  	s9 =	sadd.s32 $0xFFFFFEF7, lr;
	s5 =	simm.s32 $0xFFFFFFFF;
	p2 =	slt.u32 s8, $0xFFFFF086  }
0x1c: {  	p1 =	slt.u32 s9, $0xF7A;
	s5 =	simm.s32 @!p2 $0x0  }
0x1d: {  	s5 =	simm.s32 @p1 $0x1;
	p0 =	seq.s32 s7, s2  }
0x1e: {  	s7 =	smul.u32 @!p0 $0xF7A, s2;
	p2 =	seq.s32 @!p0 s5, $0x0  }
0x1f: {  	s9 =	smul.u32 $0xF7A, s1;
	s8 =	simm.s32 @!p0 $0x1BF5;
	p2 =	por !p2, p0  }
0x20: {  	[sflag:s8] =	ssyncset.s32 @!p0 $0xFFFFF086;
	s6 =	sadd.s32 @!p0 s3, s7;
	s7 =	simm.s32 @!p0 $0x108  }
0x21: {  	s3 =	sadd.s32 s3, s9;
	s6 =	sadd.s32 @!p0 $0x88, s6;
	s7 =	simm.s32 @p2 $0x1082  }
0x22: {  	[simem:s7], [sflag:s8] =	dma.local @!p0 [hbm:s6], $0xF7A  }
0x23: {  	s9 =	sor.u32 $0xD0000000, s2;
	s6 =	simm.s32 $0x108;
	_ =	swait.ge @!p0 [sflag:s8], $0x0  }
0x24: {  	s3 =	sadd.s32 $0x88, s3;
	s6 =	simm.s32 @!p1 $0x1082;
	[sflag:s4] =	ssyncset.s32 $0xFFFFF086  }
0x25: {  	[simem:s6], [sflag:s4] =	dma.local [hbm:s3], $0xF7A  }
0x26: {  	[smem:$0x3F99] =	sst s1;
	(tag) =	ssettag s2;
	_ =	strace s9  }
0x27: {  	s1 =	sld [smem:$0x3FA9]  }
0x28: {  	s2 =	sld [smem:$0x3FAA]  }
0x29: {  	s4 =	sld [smem:$0x3FAC]  }
0x2a: {  	p0 =	seq.s32 s5, $0x0;
	s5 =	sld [smem:$0x3FAD]  }
0x2b: {  	s6 =	sld [smem:$0x3FAE]  }
0x2c: {  	s7 =	sld [smem:$0x3FAF]  }
0x2d: {  	s3 =	simm.s32 $0x108;
	s8 =	sld [smem:$0x3FB0]  }
0x2e: {  	s3 =	simm.s32 @!p0 $0x1082;
	s9 =	sld [smem:$0x3FB1]  }
0x2f: {  	lr =	sadd.s32 s0, s3;
	s0 =	sld [smem:$0x3FA8]  }
0x30: {  	s3 =	sld [smem:$0x3FAB]  }
0x31: {  	[smem:$0x3FB4] =	sst s10  }
0x32: {  	s10 =	sld [smem:$0x3FB2];
	_ =	sdelay $0x3  }
0x33: {  	p0 =	seq.s32 s10, $0x1;
	s10 =	sld [smem:$0x3FB4];
	_ =	sdelay $0x3  }
0x34: {  	[smem:$0x3FB4] =	sst s10  }
0x35: {  	s10 =	sld [smem:$0x3FB3];
	_ =	sdelay $0x3  }
0x36: {  	p1 =	seq.s32 s10, $0x1;
	s10 =	sld [smem:$0x3FB4];
	_ =	sdelay $0x3  }
0x37: {  	[smem:$0x3FB4] =	sst s10  }
0x38: {  	s10 =	sld [smem:$0x3FB5]  }
0x39: {  	_ = 	snop;
	(pc) =	sbr.ind lr, $3  }
0x3a: {  	_ = 	snop  }
0x3b: {  	_ = 	snop  }
0x3c: {  	p2 =	seq.s32 s10, $0x1;
	s10 =	sld [smem:$0x3FB4]  }
0x3d: {  	_ =	shalt  }
0x3e: {  	_ =	shalt  }
0x3f: {  	_ =	shalt  }
0x40: {  	_ =	shalt  }
0x41: {  	_ =	shalt  }
0x42: {  	_ =	shalt  }
0x43: {  	_ =	shalt  }
0x44: {  	_ =	shalt  }
0x45: {  	_ =	shalt  }
0x46: {  	_ =	shalt  }
0x47: {  	_ =	shalt  }
0x48: {  	_ =	shalt  }
0x49: {  	_ =	shalt  }
0x4a: {  	_ =	shalt  }
0x4b: {  	_ =	shalt  }
0x4c: {  	_ =	shalt  }
0x4d: {  	_ =	shalt  }
0x4e: {  	_ =	shalt  }
0x4f: {  	_ =	shalt  }
0x50: {  	_ =	shalt  }
0x51: {  	_ =	shalt  }
0x52: {  	_ =	shalt  }
0x53: {  	_ =	shalt  }
0x54: {  	_ =	shalt  }
0x55: {  	_ =	shalt  }
0x56: {  	_ =	shalt  }
0x57: {  	_ =	shalt  }
0x58: {  	_ =	shalt  }
0x59: {  	_ =	shalt  }
0x5a: {  	_ =	shalt  }
0x5b: {  	_ =	shalt  }
0x5c: {  	_ =	shalt  }
0x5d: {  	_ =	shalt  }
0x5e: {  	_ =	shalt  }
0x5f: {  	_ =	shalt  }
0x60: {  	_ =	shalt  }
0x61: {  	_ =	shalt  }
0x62: {  	_ =	shalt  }
0x63: {  	_ =	shalt  }
0x64: {  	_ =	shalt  }
0x65: {  	_ =	shalt  }
0x66: {  	_ =	shalt  }
0x67: {  	_ =	shalt  }
0x68: {  	_ =	shalt  }
0x69: {  	_ =	shalt  }
0x6a: {  	_ =	shalt  }
0x6b: {  	_ =	shalt  }
0x6c: {  	_ =	shalt  }
0x6d: {  	_ =	shalt  }
0x6e: {  	_ =	shalt  }
0x6f: {  	_ =	shalt  }
0x70: {  	_ =	shalt  }
0x71: {  	_ =	shalt  }
0x72: {  	_ =	shalt  }
0x73: {  	_ =	shalt  }
0x74: {  	_ =	shalt  }
0x75: {  	_ =	shalt  }
0x76: {  	_ =	shalt  }
0x77: {  	_ =	shalt  }
0x78: {  	_ =	shalt  }
0x79: {  	_ =	shalt  }
0x7a: {  	_ =	shalt  }
0x7b: {  	_ =	shalt  }
0x7c: {  	_ =	shalt  }
0x7d: {  	_ =	shalt  }
0x7e: {  	_ =	shalt  }
0x7f: {  	_ =	shalt  }
0x80: {  	_ =	shalt  }
0x81: {  	_ =	shalt  }
0x82: {  	_ =	shalt  }
0x83: {  	_ =	shalt  }
0x84: {  	_ =	shalt  }
0x85: {  	_ =	shalt  }
0x86: {  	_ =	shalt  }
0x87: {  	_ =	shalt  }
.Lfunc_end0:
.L_simem_size_0:
called_computation.2_lowered:
.L_overlay_start_0:
0x88: {  	s2 =	sld [smem:$0x3FD9]  }
0x89: {  	s3 =	sld [smem:$0x3FFE];
	_ =	sdelay $0x1  }
0x8a: {  	s1 =	srdreg.scid  }
0x8b: {  	s0 =	sand.u32 $0x1, s1  }
0x8c: {  	s16 =	sshll.u32 s0, $0xA;
	s2 =	sadd.s32 s3, s2  }
0x8d: {  	s2 =	sadd.s32 s2, s16  }
0x8e: {  	[smem:$0x3FC0] =	sst s2  }
0x8f: {  	_ = 	snop  }
0x90: {  	(tm) =	ssettm $0x1  }
0x91: {  	s17 =	sld [smem:$0x3FFB];
	_ =	sdelay $0x3  }
0x92: {  	_ =	strace s17  }
0x93: {  	s2 =	sld [smem:$0x3FFC];
	_ =	sdelay $0x3  }
0x94: {  	_ =	strace s2  }
0x95: {  	s2 =	sld [smem:$0x3FFD];
	_ =	sdelay $0x3  }
0x96: {  	_ =	strace s2  }
0x97: {  	_ =	strace $0x8FFFFFFF  }
0x98: {  	s18 =	sld [smem:$0x3FDB];
	_ =	sdelay $0x1  }
0x99: {  	s19 =	simm.s32 $_scs_section_size  }
0x9a: {  	s4 =	simm.s32 $_size__tile_overlayer_lowered;
	s5 =	simm.s32 $_tile_overlayer_lowered  }
0x9b: {  	s22 =	simm.s32 $0x1BFF;
	s21 =	sshll.u32 s5, $0x1;
	s2 =	sadd.s32 s19, s18  }
0x9c: {  	s6 =	simm.s32 $0x0;
	s20 =	sshll.u32 s4, $0x1;
	s4 =	sadd.s32 s21, s2  }
0x9d: {  	[timem:s6], [sflag:s22] =	dma.local [hbm:s4], s20  }
0x9e: {  	_ =	swait.ge [sflag:s22], s20  }
0x9f: {  	s3 =	ssub.s32 $0x0, s20;
	[sflag:s22] =	ssyncset.done $0x0  }
0xa0: {  	[sflag:s22] =	ssyncadd.s32 s3;
	_ =	sdelay $0x1  }
0xa1: {  	s23 =	simm.s32 $0x1B8B  }
0xa2: {  	_ =	swait.ge [sflag:s23], $0x1  }
0xa3: {  	[sflag:s23] =	ssyncset.done $0x0  }
0xa4: {  	s25 =	simm.s32 $0x1B8E;
	s24 =	sld [smem:$0x3FFE];
	[sflag:s23] =	ssyncadd.s32 $0xFFFFFFFF  }
0xa5: {  	s26 =	simm.s32 $execute0_lowered;
	[smem:$0x3FD2] =	sst s25  }
0xa6: {  	s4 =	sshll.u32 s26, $0x1;
	_ =	strace $0x8000004C;
	[dreg:$0x1] =	wrdreg $0xFFFFFFFF  }
0xa7: {  	s28 =	simm.s32 $_size_execute0_lowered;
	s2 =	sadd.s32 s2, s4;
	[dreg:$0x0] =	wrdreg $0x0  }
0xa8: {  	s4 =	sshll.u32 s28, $0x1;
	[dreg:$0x2] =	wrdreg s2  }
0xa9: {  	[dreg:$0x3] =	wrdreg s4  }
0xaa: {  	[dreg:$0x4] =	wrdreg $0xC0  }
0xab: {  	_ =	task [dreg:s6], $0x5FFFF  }
0xac: {  	[dreg:$0x1] =	wrdreg $0xFFFFFFFF  }
0xad: {  	[dreg:$0x0] =	wrdreg $0x60  }
0xae: {  	[dreg:$0x2] =	wrdreg s24  }
0xaf: {  	[dreg:$0x3] =	wrdreg $0x90000  }
0xb0: {  	[dreg:$0x4] =	wrdreg $0x9  }
0xb1: {  	_ =	task.clear_ibuf [dreg:s6], $0x5FFFF;
	_ =	strace $0x9000004C  }
0xb2: {  	s29 =	simm.s32 $0x9;
	_ =	strace $0x8000004E  }
0xb3: {  	_ =	swait.ge [sflag:s29], $0x1  }
0xb4: {  	[sflag:s29] =	ssyncadd.s32 $0xFFFFFFFF  }
0xb5: {  	_ =	strace $0x9000004E  }
0xb6: {  	_ =	sfence  }
0xb7: {  	s30 =	sld [smem:$0x0];
	_ =	sdelay $0x2  }
0xb8: {  	s31 =	sshll.u32 s1, $0xD;
	s1 =	sshrl.u32 s1, $0x2  }
0xb9: {  	s3 =	sand.u32 $0x4000, s31;
	s1 =	sadd.s32 s1, s30  }
0xba: {  	s0 =	sor.u32 s3, s0;
	s1 =	sshll.u32 s1, $0x11  }
0xbb: {  	s0 =	sor.u32 s1, s0  }
0xbc: {  	s0 =	sadd.s32 $0x8F2B, s0  }
0xbd: {  	[sflag:s0] =	ssyncadd.remote.s32 $0x1  }
0xbe: {  	_ =	sfence.sel $0xFFFF  }
0xbf: {  	[dreg:$0x0] =	wrdreg $0xFFFFFFFF;
	(pc) =	sbr.abs _section_cstart, $3  }
0xc0: {  	[dreg:$0x1] =	wrdreg $0xFFFFFFFF  }
0xc1: {  	_ =	task.clear_ibuf [dreg:s6], $0x2FFFF;
	_ =	strace $0x9FFFFFFF  }
0xc2: {  	(tm) =	ssettm $0x7FFFFFFF  }
0xc3: {  	_ =	shalt  }
tec
execute0_lowered:
.L_overlay_start_1:
0x0: {  	(tag) =	ssettag $0x1  }
0x1: {  	s1 =	srdreg.scid;
	s6 =	rddreg [dreg:$0x0]  }
0x2: {  	s0 =	stileid.u32;
	s2 =	rddreg [dreg:$0x1];
	s3 =	simm.s32 $0x0  }
0x3: {  	s14 =	simm.s32 $0x80;
	s15 =	simm.s32 $0x5000;
	s16 =	simm.s32 $0x7000  }
0x4: {  	s17 =	simm.s32 $0x1;
	s18 =	simm.s32 $0x3;
	s19 =	simm.s32 $0x2  }
0x5: {  	s20 =	simm.s32 $0x4;
	s21 =	simm.s32 $0x4F80;
	s22 =	simm.s32 $0x0  }
0x6: {  	s5 =	sand.u32 $0x1, s1;
	s26 =	sshll.u32 s0, $0x1;
	s8 =	smul.u32 $0x9E00, s0  }
0x7: {  	[smem:$0x7FF] =	sst s3;
	s4 =	sadd.s32 $0x24E00, s6;
	s31 =	sshll.u32 s0, $0x6  }
0x8: {  	s1 =	sor.u32 s5, s26;
	s9 =	smul.u32 $0x9E000, s5;
	s5 =	ssub.s32 $0x2, s5  }
0x9: {  	s7 =	smul.u32 $0x500, s1;
	s1 =	rddreg [dreg:$0x2];
	_ =	strace $0x8000004D  }
0xa: {  	s29 =	sshrl.u32 s8, $0x3;
	s30 =	sshrl.u32 s5, $0x1;
	s13 =	sadd.s32 s8, s2  }
0xb: {  	s28 =	sadd.s32 s8, s9;
	s9 =	sadd.s32 s29, s6;
	s12 =	ssub.s32 s5, s30  }
0xc: {  	s10 =	sadd.s32 s7, s6;
	s7 =	sshrl.u32 s28, $0x3;
	s5 =	sadd.s32 $0x38800, s9  }
0xd: {  	s11 =	sadd.s32 s7, s6;
	s6 =	sor.u32 $0x1C05, s31;
	s7 =	sadd.s32 $0x1AA00, s10  }
0xe: {  	s8 =	sadd.s32 $0x1800, s10;
	s10 =	smax.u32 s12, $0x1;
	s12 =	simm.s32 $0x5  }
0xf: {  	s9 =	sadd.s32 $0x4C400, s11;
	s11 =	sshrl.u32 s13, $0x3;
	s13 =	simm.s32 $0x2800  }
.LBB2_1:
0x10: {  	[spmem:s11], [sflag:s6] =	dma.local [hbm:s5], $0x13C0  }
0x11: {  	_ =	swait.ge [sflag:s12], $0x13C0  }
0x12: {  	[sflag:s12] =	ssyncset.done $0x0  }
0x13: {  	[sflag:s12] =	ssyncadd.s32 $0xFFFFEC40  }
0x14: {  	[tilespmem:s3], [sflag:$0x5] =	stream.linear.gather [hbm4b:s7+s3], $0x2800, $0x38;
	[tilespmem:$0x12E00] =	vst v63  }
0x15: {  	_ =	swait.ge [sflag:s12], $0x2800  }
0x16: {  	[sflag:s12] =	ssyncset.done $0x0  }
0x17: {  	[sflag:s12] =	ssyncadd.s32 $0xFFFFD800  }
0x18: {  	[tilespmem:s13], [sflag:$0x5] =	stream.linear.gather [hbm4b:s8+s3], $0x2800, $0x38;
	[tilespmem:$0x12E00] =	vst v63  }
0x19: {  	_ =	swait.ge [sflag:s12], $0x2800  }
0x1a: {  	[sflag:s12] =	ssyncset.done $0x0  }
0x1b: {  	[sflag:s12] =	ssyncadd.s32 $0xFFFFD800  }
0x1c: {  	[bflag:$0x0] =	sbarrier.arrive $0xFFFF  }
0x1d: {  	[tilespmem:s15], [sflag:$0x1] =	stream.indirect.gather [hbm4b:s4+s14], $0x40, s3, s14, $0xb8;
	[tilespmem:$0x12E00] =	vst v63  }
0x1e: {  	_ = 	snop  }
0x1f: {  	[tilespmem:s16], [sflag:$0x2] =	stream.indirect.gather [hbm4b:s4+s14], $0x40, s14, s14, $0xb8;
	[tilespmem:$0x12E00] =	vst v63  }
0x20: {  	_ =	swait.ge [sflag:s17], $0x2000  }
0x21: {  	[sflag:s17] =	ssyncset.done $0x0  }
0x22: {  	[sflag:s17] =	ssyncadd.s32 $0xFFFFE000  }
0x23: {  	[spmem:s2] =	stream.indirect.scatter.add.f32 [tilespmem:s15], [sflag:$0x3], $0x40, s13, s14, $0xb8;
	[tilespmem:$0x12E00] =	vst v63  }
0x24: {  	_ =	swait.ge [sflag:s18], $0x2000  }
0x25: {  	[sflag:s18] =	ssyncset.done $0x0  }
0x26: {  	s23 =	simm.s32 $0x100;
	[sflag:s18] =	ssyncadd.s32 $0xFFFFE000  }
0x27: {  	[tilespmem:s15], [sflag:$0x1] =	stream.indirect.gather [hbm4b:s4+s14], $0x40, s23, s14, $0xb8;
	[tilespmem:$0x12E00] =	vst v63  }
0x28: {  	_ =	swait.ge [sflag:s19], $0x2000  }
0x29: {  	[sflag:s19] =	ssyncset.done $0x0  }
0x2a: {  	s30 =	simm.s32 $0x2880;
	[sflag:s19] =	ssyncadd.s32 $0xFFFFE000  }
0x2b: {  	[spmem:s2] =	stream.indirect.scatter.add.f32 [tilespmem:s16], [sflag:$0x4], $0x40, s30, s14, $0xb8;
	[tilespmem:$0x12E00] =	vst v63  }
0x2c: {  	_ =	swait.ge [sflag:s20], $0x2000  }
0x2d: {  	[sflag:s20] =	ssyncset.done $0x0  }
0x2e: {  	s31 =	simm.s32 $0x180;
	[sflag:s20] =	ssyncadd.s32 $0xFFFFE000  }
0x2f: {  	[tilespmem:s16], [sflag:$0x2] =	stream.indirect.gather [hbm4b:s4+s14], $0x40, s31, s14, $0xb8;
	[tilespmem:$0x12E00] =	vst v63  }
0x30: {  	_ =	swait.ge [sflag:s17], $0x2000  }
0x31: {  	[sflag:s17] =	ssyncset.done $0x0  }
0x32: {  	s24 =	simm.s32 $0x2900;
	s23 =	simm.s32 $0xFFFF6800;
	[sflag:s17] =	ssyncadd.s32 $0xFFFFE000  }
.LBB2_2:
0x33: {  	[spmem:s2] =	stream.indirect.scatter.add.f32 [tilespmem:s15], [sflag:$0x3], $0x40, s24, s14, $0xb8;
	[tilespmem:$0x12E00] =	vst v63  }
0x34: {  	s24 =	smov.u32 s23  }
0x35: {  	p0 =	sne.s32 s23, $0xFFFFFC00;
	s23 =	sadd.s32 $0x400, s23;
	_ =	swait.ge [sflag:s18], $0x2000  }
0x36: {  	s24 =	sshra.s32 s24, $0x2;
	[sflag:s18] =	ssyncset.done $0x0  }
0x37: {  	s25 =	sadd.s32 $0x2800, s24;
	[sflag:s18] =	ssyncadd.s32 $0xFFFFE000  }
0x38: {  	[tilespmem:s15], [sflag:$0x1] =	stream.indirect.gather [hbm4b:s4+s14], $0x40, s25, s14, $0xb8;
	[tilespmem:$0x12E00] =	vst v63  }
0x39: {  	_ =	swait.ge [sflag:s19], $0x2000  }
0x3a: {  	[sflag:s19] =	ssyncset.done $0x0  }
0x3b: {  	s25 =	sadd.s32 $0x4F80, s24;
	[sflag:s19] =	ssyncadd.s32 $0xFFFFE000  }
0x3c: {  	[spmem:s2] =	stream.indirect.scatter.add.f32 [tilespmem:s16], [sflag:$0x4], $0x40, s25, s14, $0xb8;
	[tilespmem:$0x12E00] =	vst v63  }
0x3d: {  	_ =	swait.ge [sflag:s20], $0x2000  }
0x3e: {  	[sflag:s20] =	ssyncset.done $0x0  }
.Ltmp0:
0x3f: {  	s25 =	sadd.s32 $0x2880, s24;
	[sflag:s20] =	ssyncadd.s32 $0xFFFFE000;
	(pc) =	sbr.rel @p0 .LBB2_2-.Ltmp0, $4  }
0x40: {  	[tilespmem:s16], [sflag:$0x2] =	stream.indirect.gather [hbm4b:s4+s14], $0x40, s25, s14, $0xb8;
	[tilespmem:$0x12E00] =	vst v63  }
0x41: {  	_ =	swait.ge [sflag:s17], $0x2000  }
0x42: {  	[sflag:s17] =	ssyncset.done $0x0  }
0x43: {  	s24 =	sadd.s32 $0x5000, s24;
	[sflag:s17] =	ssyncadd.s32 $0xFFFFE000  }
0x44: {  	[spmem:s2] =	stream.indirect.scatter.add.f32 [tilespmem:s15], [sflag:$0x3], $0x40, s24, s14, $0xb8;
	[tilespmem:$0x12E00] =	vst v63  }
0x45: {  	_ =	swait.ge [sflag:s18], $0x2000  }
0x46: {  	[sflag:s18] =	ssyncset.done $0x0  }
0x47: {  	[sflag:s18] =	ssyncadd.s32 $0xFFFFE000  }
0x48: {  	_ =	swait.ge [sflag:s19], $0x2000  }
0x49: {  	[sflag:s19] =	ssyncset.done $0x0  }
0x4a: {  	[sflag:s19] =	ssyncadd.s32 $0xFFFFE000  }
0x4b: {  	[spmem:s2] =	stream.indirect.scatter.add.f32 [tilespmem:s16], [sflag:$0x4], $0x40, s21, s14, $0xb8;
	[tilespmem:$0x12E00] =	vst v63  }
0x4c: {  	_ =	swait.ge [sflag:s20], $0x2000  }
0x4d: {  	s22 =	sadd.s32 $0x1, s22;
	[sflag:s20] =	ssyncset.done $0x0  }
0x4e: {  	p0 =	sne.s32 s22, s10;
	[sflag:s20] =	ssyncadd.s32 $0xFFFFE000  }
.Ltmp1:
0x4f: {  	[bflag:$0x0] =	sbarrier.arrive $0xFFFF;
	(pc) =	sbr.rel @p0 .LBB2_1-.Ltmp1, $4  }
0x50: {  	[hbm:s9], [sflag:s6] =	dma.local [spmem:s11], $0x13C0  }
0x51: {  	_ =	swait.ge [sflag:s12], $0x13C0  }
0x52: {  	[sflag:s12] =	ssyncset.done $0x0  }
0x53: {  	[sflag:s12] =	ssyncadd.s32 $0xFFFFEC40  }
0x54: {  	_ =	sfence.sel $0x180000  }
0x55: {  	[bflag:$0x0] =	sbarrier.arrive $0xFFFF  }
0x56: {  	p0 =	sne.s32 s0, $0x0;
	_ =	strace $0x9000004D  }
0x57: {  	s0 =	sadd.s32 @!p0 $0x100000, s1;
	[bflag:$0x2] =	sbarrier.arrive $0xFFFF  }
0x58: {  	[sflag:s0] =	ssyncadd.tile.s32 @!p0 $0x1;
	_ =	shalt  }
.Lfunc_end2:
_tile_overlayer_lowered:
.L_overlay_start_2:
0x59: {  	(tag) =	ssettag $0x2  }
0x5a: {  	s0 =	rddreg [dreg:$0x0];
	s2 =	stileid.u32  }
0x5b: {  	s1 =	rddreg [dreg:$0x1];
	p0 =	sne.s32 s2, $0x0  }
0x5c: {  	s3 =	rddreg [dreg:$0x2];
	[bflag:$0x3] =	sbarrier.arrive $0xFFFF;
	s2 =	simm.s32 @!p0 $0x1C05  }
0x5d: {  	[timem:s3], [sflag:s2] =	dma.local @!p0 [hbm:s0], s1  }
0x5e: {  	s0 =	simm.s32 @!p0 $0x5  }
0x5f: {  	_ =	swait.ge @!p0 [sflag:s0], s1  }
0x60: {  	s1 =	ssub.s32 @!p0 $0x0, s1;
	[sflag:s0] =	ssyncset.done @!p0 $0x0  }
0x61: {  	[sflag:s0] =	ssyncadd.s32 @!p0 s1  }
0x62: {  	[bflag:$0x3] =	sbarrier.arrive $0xFFFF  }
0x63: {  	_ =	shalt  }

// kernel: kernel.9.cloned.1.call-start
scs
__scs_entry_jumppad:
0x0: {  	(pc) =	sbr.rel $0x88, $3  }
0x1: {  	(tag) =	ssettag $0x0;
	lr =	simm.s32 $0x1  }
0x2: {  	[smem:$0x3F99] =	sst lr;
	_ =	strace $0xD0000000  }
0x3: {  	_ = 	snop  }
0x4: {  	_ = 	snop  }
0x5: {  	_ = 	snop  }
0x6: {  	_ = 	snop  }
0x7: {  	_ = 	snop  }
__scs_overlays_trampoline_lowered:
0x8: {  	[smem:$0x3FA8] =	sst s0  }
0x9: {  	[smem:$0x3FA9] =	sst s1  }
0xa: {  	[smem:$0x3FAA] =	sst s2  }
0xb: {  	[smem:$0x3FAB] =	sst s3  }
0xc: {  	[smem:$0x3FAC] =	sst s4  }
0xd: {  	[smem:$0x3FAD] =	sst s5  }
0xe: {  	[smem:$0x3FAE] =	sst s6  }
0xf: {  	[smem:$0x3FAF] =	sst s7  }
0x10: {  	[smem:$0x3FB0] =	sst s8  }
0x11: {  	[smem:$0x3FB1] =	sst s9;
	s0 =	simm.s32 @!p0 $0x0  }
0x12: {  	s1 =	sld [smem:$0x3F97];
	s0 =	simm.s32 @p0 $0x1  }
0x13: {  	[smem:$0x3FB2] =	sst s0;
	s0 =	simm.s32 @!p1 $0x0  }
0x14: {  	s2 =	sld [smem:$0x3F96];
	s0 =	simm.s32 @p1 $0x1  }
0x15: {  	[smem:$0x3FB3] =	sst s0;
	s0 =	simm.s32 @!p2 $0x0  }
0x16: {  	s3 =	sld [smem:$0x3FDB];
	s0 =	simm.s32 @p2 $0x1  }
0x17: {  	s4 =	simm.s32 $0x1BF5;
	[smem:$0x3FB5] =	sst s0  }
0x18: {  	s0 =	sld [smem:$0x3F98];
	_ =	swait.ge [sflag:s4], $0x0  }
0x19: {  	s7 =	sld [smem:$0x3F99]  }
0x1a: {  	s8 =	sadd.s32 $0xFFFFE003, lr  }
0x1b: {  	s9 =	sadd.s32 $0xFFFFFEF7, lr;
	s5 =	simm.s32 $0xFFFFFFFF;
	p2 =	slt.u32 s8, $0xFFFFF086  }
0x1c: {  	p1 =	slt.u32 s9, $0xF7A;
	s5 =	simm.s32 @!p2 $0x0  }
0x1d: {  	s5 =	simm.s32 @p1 $0x1;
	p0 =	seq.s32 s7, s2  }
0x1e: {  	s7 =	smul.u32 @!p0 $0xF7A, s2;
	p2 =	seq.s32 @!p0 s5, $0x0  }
0x1f: {  	s9 =	smul.u32 $0xF7A, s1;
	s8 =	simm.s32 @!p0 $0x1BF5;
	p2 =	por !p2, p0  }
0x20: {  	[sflag:s8] =	ssyncset.s32 @!p0 $0xFFFFF086;
	s6 =	sadd.s32 @!p0 s3, s7;
	s7 =	simm.s32 @!p0 $0x108  }
0x21: {  	s3 =	sadd.s32 s3, s9;
	s6 =	sadd.s32 @!p0 $0x88, s6;
	s7 =	simm.s32 @p2 $0x1082  }
0x22: {  	[simem:s7], [sflag:s8] =	dma.local @!p0 [hbm:s6], $0xF7A  }
0x23: {  	s9 =	sor.u32 $0xD0000000, s2;
	s6 =	simm.s32 $0x108;
	_ =	swait.ge @!p0 [sflag:s8], $0x0  }
0x24: {  	s3 =	sadd.s32 $0x88, s3;
	s6 =	simm.s32 @!p1 $0x1082;
	[sflag:s4] =	ssyncset.s32 $0xFFFFF086  }
0x25: {  	[simem:s6], [sflag:s4] =	dma.local [hbm:s3], $0xF7A  }
0x26: {  	[smem:$0x3F99] =	sst s1;
	(tag) =	ssettag s2;
	_ =	strace s9  }
0x27: {  	s1 =	sld [smem:$0x3FA9]  }
0x28: {  	s2 =	sld [smem:$0x3FAA]  }
0x29: {  	s4 =	sld [smem:$0x3FAC]  }
0x2a: {  	p0 =	seq.s32 s5, $0x0;
	s5 =	sld [smem:$0x3FAD]  }
0x2b: {  	s6 =	sld [smem:$0x3FAE]  }
0x2c: {  	s7 =	sld [smem:$0x3FAF]  }
0x2d: {  	s3 =	simm.s32 $0x108;
	s8 =	sld [smem:$0x3FB0]  }
0x2e: {  	s3 =	simm.s32 @!p0 $0x1082;
	s9 =	sld [smem:$0x3FB1]  }
0x2f: {  	lr =	sadd.s32 s0, s3;
	s0 =	sld [smem:$0x3FA8]  }
0x30: {  	s3 =	sld [smem:$0x3FAB]  }
0x31: {  	[smem:$0x3FB4] =	sst s10  }
0x32: {  	s10 =	sld [smem:$0x3FB2];
	_ =	sdelay $0x3  }
0x33: {  	p0 =	seq.s32 s10, $0x1;
	s10 =	sld [smem:$0x3FB4];
	_ =	sdelay $0x3  }
0x34: {  	[smem:$0x3FB4] =	sst s10  }
0x35: {  	s10 =	sld [smem:$0x3FB3];
	_ =	sdelay $0x3  }
0x36: {  	p1 =	seq.s32 s10, $0x1;
	s10 =	sld [smem:$0x3FB4];
	_ =	sdelay $0x3  }
0x37: {  	[smem:$0x3FB4] =	sst s10  }
0x38: {  	s10 =	sld [smem:$0x3FB5]  }
0x39: {  	_ = 	snop;
	(pc) =	sbr.ind lr, $3  }
0x3a: {  	_ = 	snop  }
0x3b: {  	_ = 	snop  }
0x3c: {  	p2 =	seq.s32 s10, $0x1;
	s10 =	sld [smem:$0x3FB4]  }
0x3d: {  	_ =	shalt  }
0x3e: {  	_ =	shalt  }
0x3f: {  	_ =	shalt  }
0x40: {  	_ =	shalt  }
0x41: {  	_ =	shalt  }
0x42: {  	_ =	shalt  }
0x43: {  	_ =	shalt  }
0x44: {  	_ =	shalt  }
0x45: {  	_ =	shalt  }
0x46: {  	_ =	shalt  }
0x47: {  	_ =	shalt  }
0x48: {  	_ =	shalt  }
0x49: {  	_ =	shalt  }
0x4a: {  	_ =	shalt  }
0x4b: {  	_ =	shalt  }
0x4c: {  	_ =	shalt  }
0x4d: {  	_ =	shalt  }
0x4e: {  	_ =	shalt  }
0x4f: {  	_ =	shalt  }
0x50: {  	_ =	shalt  }
0x51: {  	_ =	shalt  }
0x52: {  	_ =	shalt  }
0x53: {  	_ =	shalt  }
0x54: {  	_ =	shalt  }
0x55: {  	_ =	shalt  }
0x56: {  	_ =	shalt  }
0x57: {  	_ =	shalt  }
0x58: {  	_ =	shalt  }
0x59: {  	_ =	shalt  }
0x5a: {  	_ =	shalt  }
0x5b: {  	_ =	shalt  }
0x5c: {  	_ =	shalt  }
0x5d: {  	_ =	shalt  }
0x5e: {  	_ =	shalt  }
0x5f: {  	_ =	shalt  }
0x60: {  	_ =	shalt  }
0x61: {  	_ =	shalt  }
0x62: {  	_ =	shalt  }
0x63: {  	_ =	shalt  }
0x64: {  	_ =	shalt  }
0x65: {  	_ =	shalt  }
0x66: {  	_ =	shalt  }
0x67: {  	_ =	shalt  }
0x68: {  	_ =	shalt  }
0x69: {  	_ =	shalt  }
0x6a: {  	_ =	shalt  }
0x6b: {  	_ =	shalt  }
0x6c: {  	_ =	shalt  }
0x6d: {  	_ =	shalt  }
0x6e: {  	_ =	shalt  }
0x6f: {  	_ =	shalt  }
0x70: {  	_ =	shalt  }
0x71: {  	_ =	shalt  }
0x72: {  	_ =	shalt  }
0x73: {  	_ =	shalt  }
0x74: {  	_ =	shalt  }
0x75: {  	_ =	shalt  }
0x76: {  	_ =	shalt  }
0x77: {  	_ =	shalt  }
0x78: {  	_ =	shalt  }
0x79: {  	_ =	shalt  }
0x7a: {  	_ =	shalt  }
0x7b: {  	_ =	shalt  }
0x7c: {  	_ =	shalt  }
0x7d: {  	_ =	shalt  }
0x7e: {  	_ =	shalt  }
0x7f: {  	_ =	shalt  }
0x80: {  	_ =	shalt  }
0x81: {  	_ =	shalt  }
0x82: {  	_ =	shalt  }
0x83: {  	_ =	shalt  }
0x84: {  	_ =	shalt  }
0x85: {  	_ =	shalt  }
0x86: {  	_ =	shalt  }
0x87: {  	_ =	shalt  }
.Lfunc_end0:
.L_simem_size_0:
called_computation_lowered:
.L_overlay_start_0:
0x88: {  	s2 =	sld [smem:$0x3FD9]  }
0x89: {  	s3 =	sld [smem:$0x3FFE];
	_ =	sdelay $0x1  }
0x8a: {  	s1 =	srdreg.scid  }
0x8b: {  	s0 =	sand.u32 $0x1, s1  }
0x8c: {  	s17 =	sshll.u32 s0, $0xA;
	s2 =	sadd.s32 s3, s2  }
0x8d: {  	s2 =	sadd.s32 s2, s17  }
0x8e: {  	[smem:$0x3FC0] =	sst s2  }
0x8f: {  	_ = 	snop  }
0x90: {  	s2 =	sld [smem:$0x3FD0];
	(tm) =	ssettm $0x1  }
0x91: {  	s18 =	sld [smem:$0x3FFB];
	_ =	sdelay $0x3  }
0x92: {  	_ =	strace s18  }
0x93: {  	s3 =	sld [smem:$0x3FFC];
	_ =	sdelay $0x3  }
0x94: {  	_ =	strace s3  }
0x95: {  	s3 =	sld [smem:$0x3FFD];
	_ =	sdelay $0x3  }
0x96: {  	_ =	strace s3  }
0x97: {  	_ =	strace $0x8FFFFFFF  }
0x98: {  	s19 =	sld [smem:$0x3FDB];
	_ =	sdelay $0x1  }
0x99: {  	s4 =	simm.s32 $_scs_section_size  }
0x9a: {  	s5 =	simm.s32 $_size__tile_overlayer_lowered;
	s6 =	simm.s32 $_tile_overlayer_lowered  }
0x9b: {  	s22 =	simm.s32 $0x1BFF;
	s21 =	sshll.u32 s6, $0x1;
	s3 =	sadd.s32 s4, s19  }
0x9c: {  	s7 =	simm.s32 $0x0;
	s20 =	sshll.u32 s5, $0x1;
	s5 =	sadd.s32 s21, s3  }
0x9d: {  	[timem:s7], [sflag:s22] =	dma.local [hbm:s5], s20  }
0x9e: {  	_ =	swait.ge [sflag:s22], s20  }
0x9f: {  	s4 =	ssub.s32 $0x0, s20;
	[sflag:s22] =	ssyncset.done $0x0  }
0xa0: {  	[sflag:s22] =	ssyncadd.s32 s4;
	_ =	sdelay $0x1  }
0xa1: {  	s23 =	simm.s32 $0x1B8B  }
0xa2: {  	_ =	swait.ge [sflag:s23], $0x1  }
0xa3: {  	[sflag:s23] =	ssyncset.done $0x0  }
0xa4: {  	s25 =	simm.s32 $0x1B8E;
	s24 =	sld [smem:$0x3FFE];
	[sflag:s23] =	ssyncadd.s32 $0xFFFFFFFF  }
0xa5: {  	s26 =	simm.s32 $execute0_lowered;
	[smem:$0x3FD2] =	sst s25  }
0xa6: {  	s5 =	sshll.u32 s26, $0x1;
	_ =	strace $0x80000046;
	[dreg:$0x1] =	wrdreg $0xFFFFFFFF  }
0xa7: {  	s28 =	simm.s32 $_size_execute0_lowered;
	s3 =	sadd.s32 s3, s5;
	[dreg:$0x0] =	wrdreg $0x0  }
0xa8: {  	s5 =	sshll.u32 s28, $0x1;
	[dreg:$0x2] =	wrdreg s3  }
0xa9: {  	[dreg:$0x3] =	wrdreg s5  }
0xaa: {  	[dreg:$0x4] =	wrdreg $0xC0  }
0xab: {  	_ =	task [dreg:s7], $0x5FFFF  }
0xac: {  	[dreg:$0x1] =	wrdreg $0xFFFFFFFF  }
0xad: {  	[dreg:$0x0] =	wrdreg $0x60  }
0xae: {  	[dreg:$0x2] =	wrdreg s24  }
0xaf: {  	[dreg:$0x3] =	wrdreg s2  }
0xb0: {  	[dreg:$0x4] =	wrdreg $0x30000  }
0xb1: {  	[dreg:$0x5] =	wrdreg $0x9  }
0xb2: {  	_ =	task.clear_ibuf [dreg:s7], $0x6FFFF;
	_ =	strace $0x90000046  }
0xb3: {  	s29 =	simm.s32 $0x9;
	_ =	strace $0x80000048  }
0xb4: {  	_ =	swait.ge [sflag:s29], $0x1  }
0xb5: {  	[sflag:s29] =	ssyncadd.s32 $0xFFFFFFFF  }
0xb6: {  	_ =	strace $0x90000048  }
0xb7: {  	_ =	sfence  }
0xb8: {  	s30 =	sld [smem:$0x0];
	_ =	sdelay $0x2  }
0xb9: {  	s31 =	sshll.u32 s1, $0xD;
	s1 =	sshrl.u32 s1, $0x2  }
0xba: {  	s3 =	sand.u32 $0x4000, s31;
	s1 =	sadd.s32 s1, s30  }
0xbb: {  	s0 =	sor.u32 s3, s0;
	s1 =	sshll.u32 s1, $0x11  }
0xbc: {  	s0 =	sor.u32 s1, s0  }
0xbd: {  	s0 =	sadd.s32 $0x8F2B, s0  }
0xbe: {  	[sflag:s0] =	ssyncadd.remote.s32 $0x1  }
0xbf: {  	_ =	sfence.sel $0xFFFF  }
0xc0: {  	[dreg:$0x0] =	wrdreg $0xFFFFFFFF;
	(pc) =	sbr.abs _section_cstart, $3  }
0xc1: {  	[dreg:$0x1] =	wrdreg $0xFFFFFFFF  }
0xc2: {  	_ =	task.clear_ibuf [dreg:s7], $0x2FFFF;
	_ =	strace $0x9FFFFFFF  }
0xc3: {  	(tm) =	ssettm $0x7FFFFFFF  }
tec
execute0_lowered:
.L_overlay_start_1:
0x0: {  	(tag) =	ssettag $0x1  }
0x1: {  	s5 =	rddreg [dreg:$0x0]  }
0x2: {  	s1 =	srdreg.scid;
	s2 =	rddreg [dreg:$0x1]  }
0x3: {  	s0 =	stileid.u32;
	s3 =	rddreg [dreg:$0x2];
	s4 =	simm.s32 $0x0  }
0x4: {  	s13 =	simm.s32 $0x80;
	s14 =	simm.s32 $0x0;
	s6 =	sand.u32 $0x1, s1  }
0x5: {  	s30 =	sshll.u32 s0, $0x1;
	s8 =	smul.u32 $0x2780, s0;
	[smem:$0x7FF] =	sst s4  }
0x6: {  	s31 =	sshll.u32 s0, $0x6;
	s1 =	sor.u32 s6, s30;
	s9 =	smul.u32 $0x27800, s6  }
0x7: {  	s6 =	ssub.s32 $0x2, s6;
	s7 =	smul.u32 $0x500, s1;
	s1 =	rddreg [dreg:$0x3]  }
0x8: {  	_ =	strace $0x80000047;
	s10 =	sshrl.u32 s8, $0x3;
	s11 =	sshrl.u32 s6, $0x1  }
0x9: {  	s12 =	sadd.s32 s8, s3;
	s9 =	sadd.s32 s8, s9;
	s10 =	sadd.s32 s10, s5  }
0xa: {  	s11 =	ssub.s32 s6, s11;
	s6 =	sor.u32 $0x1C01, s31;
	s9 =	sshrl.u32 s9, $0x3  }
0xb: {  	s7 =	sadd.s32 s7, s5;
	s9 =	sadd.s32 s9, s5;
	s5 =	sadd.s32 $0xBC00, s10  }
0xc: {  	s7 =	sadd.s32 $0x1800, s7;
	s10 =	sshrl.u32 s12, $0x3;
	s12 =	simm.s32 $0x2800  }
0xd: {  	s8 =	sadd.s32 $0x10C00, s9;
	s9 =	smax.u32 s11, $0x1;
	s11 =	simm.s32 $0x1  }
.LBB2_1:
0xe: {  	[spmem:s10], [sflag:s6] =	dma.local [hbm:s5], $0x4F0  }
0xf: {  	_ =	swait.ge [sflag:s11], $0x4F0  }
0x10: {  	[sflag:s11] =	ssyncset.done $0x0  }
0x11: {  	[sflag:s11] =	ssyncadd.s32 $0xFFFFFB10  }
0x12: {  	[tilespmem:s4], [sflag:$0x1] =	stream.linear.gather [hbm4b:s7+s4], $0x2800, $0x38;
	[tilespmem:$0x5780] =	vst v63  }
0x13: {  	_ =	swait.ge [sflag:s11], $0x2800  }
0x14: {  	[sflag:s11] =	ssyncset.done $0x0  }
0x15: {  	[sflag:s11] =	ssyncadd.s32 $0xFFFFD800  }
0x16: {  	[tilespmem:s12], [sflag:$0x1] =	stream.linear.gather [hbm4b:s2+s4], $0x800, $0x38;
	[tilespmem:$0x5780] =	vst v63  }
0x17: {  	_ =	swait.ge [sflag:s11], $0x800  }
0x18: {  	[sflag:s11] =	ssyncset.done $0x0  }
0x19: {  	[sflag:s11] =	ssyncadd.s32 $0xFFFFF800  }
0x1a: {  	s15 =	simm.s32 $0x0;
	[bflag:$0x0] =	sbarrier.arrive $0xFFFF  }
0x1b: {  	[spmem:s3] =	stream.indirect.scatter.add.f32 [tilespmem:s12], [sflag:$0x1], $0x10, s15, s13, $0xb8;
	[tilespmem:$0x5780] =	vst v63  }
0x1c: {  	_ =	swait.ge [sflag:s11], $0x800  }
0x1d: {  	s15 =	simm.s32 $0x200;
	[sflag:s11] =	ssyncset.done $0x0  }
.LBB2_2:
0x1e: {  	s16 =	sshra.s32 s15, $0x2;
	[sflag:s11] =	ssyncadd.s32 $0xFFFFF800;
	p0 =	sne.s32 s15, $0x9E00  }
0x1f: {  	[spmem:s3] =	stream.indirect.scatter.add.f32 [tilespmem:s12], [sflag:$0x1], $0x10, s16, s13, $0xb8;
	[tilespmem:$0x5780] =	vst v63  }
.Ltmp0:
0x20: {  	_ = 	snop;
	(pc) =	sbr.rel @p0 .LBB2_2-.Ltmp0, $4  }
0x21: {  	_ = 	snop  }
0x22: {  	s15 =	sadd.s32 $0x200, s15  }
0x23: {  	_ =	swait.ge [sflag:s11], $0x800  }
0x24: {  	[sflag:s11] =	ssyncset.done $0x0  }
0x25: {  	s14 =	sadd.s32 $0x1, s14  }
0x26: {  	[sflag:s11] =	ssyncadd.s32 $0xFFFFF800;
	p0 =	sne.s32 s14, s9  }
.Ltmp1:
0x27: {  	[bflag:$0x0] =	sbarrier.arrive $0xFFFF;
	(pc) =	sbr.rel @p0 .LBB2_1-.Ltmp1, $4  }
0x28: {  	[hbm:s8], [sflag:s6] =	dma.local [spmem:s10], $0x4F0  }
0x29: {  	_ =	swait.ge [sflag:s11], $0x4F0  }
0x2a: {  	[sflag:s11] =	ssyncset.done $0x0  }
0x2b: {  	[sflag:s11] =	ssyncadd.s32 $0xFFFFFB10  }
0x2c: {  	_ =	sfence.sel $0x180000  }
0x2d: {  	[bflag:$0x0] =	sbarrier.arrive $0xFFFF  }
0x2e: {  	p0 =	sne.s32 s0, $0x0;
	_ =	strace $0x90000047  }
0x2f: {  	s0 =	sadd.s32 @!p0 $0x100000, s1;
	[bflag:$0x2] =	sbarrier.arrive $0xFFFF  }
0x30: {  	[sflag:s0] =	ssyncadd.tile.s32 @!p0 $0x1;
	_ =	shalt  }
.Lfunc_end2:
_tile_overlayer_lowered:
.L_overlay_start_2:
0x31: {  	(tag) =	ssettag $0x2  }
0x32: {  	s0 =	rddreg [dreg:$0x0];
	s2 =	stileid.u32  }
0x33: {  	s1 =	rddreg [dreg:$0x1];
	p0 =	sne.s32 s2, $0x0  }
0x34: {  	s3 =	rddreg [dreg:$0x2];
	[bflag:$0x3] =	sbarrier.arrive $0xFFFF;
	s2 =	simm.s32 @!p0 $0x1C01  }
0x35: {  	[timem:s3], [sflag:s2] =	dma.local @!p0 [hbm:s0], s1  }
0x36: {  	s0 =	simm.s32 @!p0 $0x1  }
0x37: {  	_ =	swait.ge @!p0 [sflag:s0], s1  }
0x38: {  	s1 =	ssub.s32 @!p0 $0x0, s1;
	[sflag:s0] =	ssyncset.done @!p0 $0x0  }
0x39: {  	[sflag:s0] =	ssyncadd.s32 @!p0 s1  }
0x3a: {  	[bflag:$0x3] =	sbarrier.arrive $0xFFFF  }
0x3b: {  	_ =	shalt  }

</sc_bundles>
